<compile_context>
chip_gen: v7x
topology: tpu7x:2x2x1
jax: 0.10.2.dev20260603
libtpu: 0.0.44.dev20260713+nightly
codegen_flags: <defaults>
</compile_context>

<pallas_src>
import jax
import jax.numpy as jnp
from jax import lax
from jax.experimental import pallas as pl
from jax.experimental.pallas import tpu as pltpu
from jax.experimental.pallas import tpu_sc as plsc

_N = 10000
_E = 320000
_D = 128
_K = 10
_ALPHA = 0.1

_NC = 2
_NS = 16
_DH = _D // _NC
_NP = 10240
_RPT = _NP // _NS
_RC = 64
_NRC = _RPT // _RC
_C = 128
_NCHUNK = 160
_EPAD = _NS * _NCHUNK * _C
_PAD_IDX = _N
_L = 16


def _nr_rsqrt(x):
    i = lax.bitcast_convert_type(x, jnp.int32)
    i = jnp.int32(0x5F3759DF) - (i >> 1)
    y = lax.bitcast_convert_type(i, jnp.float32)
    for _ in range(3):
        y = y * (1.5 - 0.5 * x * y * y)
    return y


def _appnp_body(feat, srci, dsti, out, u_hbm, acc_sp, src_v, dst_v,
                y_v, buf0, buf1, buf2, buf3, zbuf,
                gs0, gs1, gs2, gs3, ss0, ss1, ss2, ss3):
    c = lax.axis_index("c")
    s = lax.axis_index("s")
    row0 = s * _RPT

    pltpu.sync_copy(srci.at[s], src_v)
    pltpu.sync_copy(dsti.at[s], dst_v)
    ubase = c * _NP

    def _offs(j, _):
        for k in range(_C // _L):
            src_v[j, pl.ds(_L * k, _L)] = src_v[j, pl.ds(_L * k, _L)] + ubase
        return 0
    lax.fori_loop(0, _NCHUNK, _offs, 0)

    def _zrow(r, _):
        z = jnp.zeros((_L,), jnp.float32)
        for k in range(_DH // _L):
            zbuf[r, pl.ds(_L * k, _L)] = z
        return 0
    lax.fori_loop(0, _RC, _zrow, 0)

    def _zacc(i, _):
        pltpu.sync_copy(zbuf, acc_sp.at[pl.ds(row0 + i * _RC, _RC)])
        return 0
    lax.fori_loop(0, _NRC, _zacc, 0)

    def _ones(r, _):
        o = jnp.full((_L,), 1.0, jnp.float32)
        for k in range(_DH // _L):
            buf0[r, pl.ds(_L * k, _L)] = o
        return 0
    lax.fori_loop(0, _C, _ones, 0)
    plsc.subcore_barrier()

    def _deg(j, _):
        pltpu.sync_copy(buf0, acc_sp.at[dst_v.at[j]], add=True)
        return 0
    lax.fori_loop(0, _NCHUNK, _deg, 0)
    plsc.subcore_barrier()

    def _ab_chunk(ci, _):
        r0 = row0 + ci * _RC
        pltpu.sync_copy(acc_sp.at[pl.ds(r0, _RC)], buf0.at[pl.ds(0, _RC)])
        pltpu.sync_copy(feat.at[c].at[pl.ds(r0, _RC)], buf1.at[pl.ds(0, _RC)])

        def _row(r, _2):
            lr = ci * _RC + r
            d = buf0[r, pl.ds(0, _L)]
            y = _nr_rsqrt(jnp.maximum(d, 1.0))
            y_v[lr, pl.ds(0, _L)] = y
            for k in range(_DH // _L):
                h0 = buf1[r, pl.ds(_L * k, _L)]
                buf0[r, pl.ds(_L * k, _L)] = y * h0
            return 0
        lax.fori_loop(0, _RC, _row, 0)
        pltpu.sync_copy(buf0.at[pl.ds(0, _RC)], u_hbm.at[pl.ds(ubase + r0, _RC)])
        pltpu.sync_copy(zbuf, acc_sp.at[pl.ds(r0, _RC)])
        return 0
    lax.fori_loop(0, _NRC, _ab_chunk, 0)
    plsc.subcore_barrier()

    bufs = (buf0, buf1, buf2, buf3)
    gss = (gs0, gs1, gs2, gs3)
    sss = (ss0, ss1, ss2, ss3)

    def _propagate():
        pltpu.async_copy(u_hbm.at[src_v.at[0]], buf0, gs0)
        pltpu.async_copy(u_hbm.at[src_v.at[1]], buf1, gs1)

        def _quad(t, _):
            for p in range(4):
                j = 4 * t + p
                b = p
                b2 = (p + 2) % 4
                pltpu.make_async_copy(u_hbm.at[src_v.at[j]], bufs[b],
                                      gss[b]).wait()
                pltpu.async_copy(bufs[b], acc_sp.at[dst_v.at[j]], sss[b],
                                 add=True)
                if p < 2:
                    @pl.when(t > 0)
                    def _w():
                        pltpu.make_async_copy(bufs[b2],
                                              acc_sp.at[dst_v.at[j - 2]],
                                              sss[b2]).wait()
                    pltpu.async_copy(u_hbm.at[src_v.at[j + 2]], bufs[b2],
                                     gss[b2])
                else:
                    pltpu.make_async_copy(bufs[b2],
                                          acc_sp.at[dst_v.at[j - 2]],
                                          sss[b2]).wait()

                    @pl.when(j + 2 < _NCHUNK)
                    def _g():
                        pltpu.async_copy(u_hbm.at[src_v.at[j + 2]], bufs[b2],
                                         gss[b2])
            return 0
        lax.fori_loop(0, _NCHUNK // 4, _quad, 0)
        pltpu.make_async_copy(buf2, acc_sp.at[dst_v.at[_NCHUNK - 2]],
                              ss2).wait()
        pltpu.make_async_copy(buf3, acc_sp.at[dst_v.at[_NCHUNK - 1]],
                              ss3).wait()

    def _dense():
        def _chunk(ci, _):
            r0 = row0 + ci * _RC
            pltpu.sync_copy(acc_sp.at[pl.ds(r0, _RC)], buf0.at[pl.ds(0, _RC)])
            pltpu.sync_copy(feat.at[c].at[pl.ds(r0, _RC)],
                            buf1.at[pl.ds(0, _RC)])

            def _row(r, _2):
                lr = ci * _RC + r
                y = y_v[lr, pl.ds(0, _L)]
                a = (1.0 - _ALPHA) * (y * y)
                for k in range(_DH // _L):
                    acc16 = buf0[r, pl.ds(_L * k, _L)]
                    b16 = _ALPHA * (y * buf1[r, pl.ds(_L * k, _L)])
                    buf0[r, pl.ds(_L * k, _L)] = a * acc16 + b16
                return 0
            lax.fori_loop(0, _RC, _row, 0)
            pltpu.sync_copy(buf0.at[pl.ds(0, _RC)],
                            u_hbm.at[pl.ds(ubase + r0, _RC)])
            pltpu.sync_copy(zbuf, acc_sp.at[pl.ds(r0, _RC)])
            return 0
        lax.fori_loop(0, _NRC, _chunk, 0)

    def _layer(l, _):
        _propagate()
        plsc.subcore_barrier()
        _dense()
        plsc.subcore_barrier()
        return 0
    lax.fori_loop(0, _K - 1, _layer, 0)

    _propagate()
    plsc.subcore_barrier()

    def _out_chunk(ci, _):
        r0 = row0 + ci * _RC
        pltpu.sync_copy(acc_sp.at[pl.ds(r0, _RC)], buf0.at[pl.ds(0, _RC)])
        pltpu.sync_copy(feat.at[c].at[pl.ds(r0, _RC)], buf1.at[pl.ds(0, _RC)])

        def _row(r, _2):
            lr = ci * _RC + r
            y = y_v[lr, pl.ds(0, _L)]
            for k in range(_DH // _L):
                acc16 = buf0[r, pl.ds(_L * k, _L)]
                h016 = buf1[r, pl.ds(_L * k, _L)]
                buf0[r, pl.ds(_L * k, _L)] = ((1.0 - _ALPHA) * (y * acc16)
                                              + _ALPHA * h016)
            return 0
        lax.fori_loop(0, _RC, _row, 0)
        pltpu.sync_copy(buf0.at[pl.ds(0, _RC)], out.at[c].at[pl.ds(r0, _RC)])
        return 0
    lax.fori_loop(0, _NRC, _out_chunk, 0)


_launch = pl.kernel(
    _appnp_body,
    out_type=jax.ShapeDtypeStruct((_NC, _NP, _DH), jnp.float32),
    mesh=plsc.VectorSubcoreMesh(core_axis_name="c", subcore_axis_name="s"),
    compiler_params=pltpu.CompilerParams(use_tc_tiling_on_sc=False),
    scratch_types=[
        pltpu.HBM((_NC * _NP, _DH), jnp.float32),
        pltpu.VMEM_SHARED((_NP, _DH), jnp.float32),
        pltpu.VMEM((_NCHUNK, _C), jnp.int32),
        pltpu.VMEM((_NCHUNK, _C), jnp.int32),
        pltpu.VMEM((_RPT, _L), jnp.float32),
        pltpu.VMEM((_C, _DH), jnp.float32),
        pltpu.VMEM((_C, _DH), jnp.float32),
        pltpu.VMEM((_C, _DH), jnp.float32),
        pltpu.VMEM((_C, _DH), jnp.float32),
        pltpu.VMEM((_RC, _DH), jnp.float32),
        pltpu.SemaphoreType.DMA,
        pltpu.SemaphoreType.DMA,
        pltpu.SemaphoreType.DMA,
        pltpu.SemaphoreType.DMA,
        pltpu.SemaphoreType.DMA,
        pltpu.SemaphoreType.DMA,
        pltpu.SemaphoreType.DMA,
        pltpu.SemaphoreType.DMA,
    ],
)


def kernel(features, edge_index):
    src = edge_index[0]
    dst = edge_index[1]
    srcp = jnp.pad(src, (0, _EPAD - _E),
                   constant_values=_PAD_IDX).reshape(_NS, _NCHUNK, _C)
    dstp = jnp.pad(dst, (0, _EPAD - _E),
                   constant_values=_PAD_IDX).reshape(_NS, _NCHUNK, _C)
    featp = jnp.pad(features, ((0, _NP - _N), (0, 0)))
    feat3 = featp.reshape(_NP, _NC, _DH).transpose(1, 0, 2)
    out3 = _launch(feat3, srcp, dstp)
    return out3.transpose(1, 0, 2).reshape(_NP, _D)[:_N]

# --- scband reference (transcript-rebuilt; emitter-appended) ---
"""Pipeline reference for scband-appnp-26740466385346 (READ-ONLY COPY).

The authoritative reference and input builder live on the scoring server;
editing this copy changes nothing except your own understanding.
"""

import jax, jax.numpy as jnp
import numpy as np

N_NODES = 10000
N_EDGES = 320000
D_FEAT = 128
K_LAYERS = 10
ALPHA = 0.1


def setup_inputs(seed: int = 0) -> dict:
    key = jax.random.key(seed)
    k1, k2 = jax.random.split(key)
    features = jax.random.normal(k1, (N_NODES, D_FEAT), dtype=jnp.float32)
    edge_index = jax.random.randint(k2, (2, N_EDGES), 0, N_NODES, dtype=jnp.int32)
    return {"features": features, "edge_index": edge_index}


def reference(features, edge_index):
    # APPNP (eval mode: dropout=0, edge_drop=0):
    # h^{l+1} = (1-alpha) * D^{-1/2} A D^{-1/2} h^l + alpha * h^0
    src = edge_index[0]
    dst = edge_index[1]
    # in-degree based symmetric normalization (DGL APPNPConv semantics)
    deg = jnp.zeros((N_NODES,), dtype=jnp.float32).at[dst].add(1.0)
    norm = jax.lax.rsqrt(jnp.clip(deg, 1.0, None))  # clamp(min=1)^{-0.5}
    h0 = features
    h = features
    for _ in range(K_LAYERS):
        h = h * norm[:, None]
        msg = jnp.take(h, src, axis=0)
        agg = jnp.zeros_like(h).at[dst].add(msg)
        h = agg * norm[:, None]
        h = (1.0 - ALPHA) * h + ALPHA * h0
    return h

if __name__ == "__main__":
    import jax
    _d = setup_inputs()
    print(jax.jit(kernel)(*tuple(_d.values())))

</pallas_src>

<mosaic_0001>
#map = affine_map<(d0, d1) -> (0, 0, 0)>
module attributes {stable_mosaic.version = 14 : i64} {
  func.func @_appnp_body(%arg0: i32, %arg1: i32, %arg2: memref<2x10240x64xf32, #tpu.memory_space<hbm>>, %arg3: memref<16x160x128xi32, #tpu.memory_space<hbm>>, %arg4: memref<16x160x128xi32, #tpu.memory_space<hbm>>, %arg5: memref<2x10240x64xf32, #tpu.memory_space<hbm>>, %arg6: memref<20480x64xf32, #tpu.memory_space<hbm>>, %arg7: memref<10240x64xf32, #tpu.memory_space<vmem_shared>>, %arg8: memref<160x128xi32, #tpu.memory_space<vmem>>, %arg9: memref<160x128xi32, #tpu.memory_space<vmem>>, %arg10: memref<640x16xf32, #tpu.memory_space<vmem>>, %arg11: memref<128x64xf32, #tpu.memory_space<vmem>>, %arg12: memref<128x64xf32, #tpu.memory_space<vmem>>, %arg13: memref<128x64xf32, #tpu.memory_space<vmem>>, %arg14: memref<128x64xf32, #tpu.memory_space<vmem>>, %arg15: memref<64x64xf32, #tpu.memory_space<vmem>>, %arg16: memref<!tpu.dma_semaphore, #tpu.memory_space<semaphore_mem>>, %arg17: memref<!tpu.dma_semaphore, #tpu.memory_space<semaphore_mem>>, %arg18: memref<!tpu.dma_semaphore, #tpu.memory_space<semaphore_mem>>, %arg19: memref<!tpu.dma_semaphore, #tpu.memory_space<semaphore_mem>>, %arg20: memref<!tpu.dma_semaphore, #tpu.memory_space<semaphore_mem>>, %arg21: memref<!tpu.dma_semaphore, #tpu.memory_space<semaphore_mem>>, %arg22: memref<!tpu.dma_semaphore, #tpu.memory_space<semaphore_mem>>, %arg23: memref<!tpu.dma_semaphore, #tpu.memory_space<semaphore_mem>>) attributes {dimension_semantics = [#tpu.dimension_semantics<core_parallel>, #tpu.dimension_semantics<subcore_parallel>], iteration_bounds = array<i64: 2, 16>, scalar_prefetch = 0 : i64, scratch_operands = 18 : i64, tpu.core_type = #tpu.core_type<sc_vector_subcore>, window_params = [{transform_indices = #map}, {transform_indices = #map}, {transform_indices = #map}, {transform_indices = #map}]} {
    %mul3A = arith.constant 640 : i32
    %mul3A_0 = arith.muli %arg1, %mul3A : i32
    "tpu.region"() ({
      %run_scoped3A = tpu.sem_alloc : memref<!tpu.dma_semaphore, #tpu.memory_space<semaphore_mem>>
      %dma_start3A_94 = arith.constant 0 : i32
      %dma_start3A_95 = arith.constant 0 : i32
      %dma_start3A_96 = tpu.memref_slice %arg3[%arg1, %dma_start3A_94, %dma_start3A_95] : memref<16x160x128xi32, #tpu.memory_space<hbm>> -> memref<1x160x128xi32, #tpu.memory_space<hbm>>
      %dma_start3A_97 = tpu.memref_squeeze %dma_start3A_96 : memref<1x160x128xi32, #tpu.memory_space<hbm>> -> memref<160x128xi32, #tpu.memory_space<hbm>>
      %dma_start3A_98 = arith.constant 0 : i32
      %dma_start3A_99 = arith.constant 0 : i32
      %dma_start3A_100 = tpu.memref_slice %arg3[%arg1, %dma_start3A_98, %dma_start3A_99] : memref<16x160x128xi32, #tpu.memory_space<hbm>> -> memref<1x160x128xi32, #tpu.memory_space<hbm>>
      %dma_start3A_101 = tpu.memref_squeeze %dma_start3A_100 : memref<1x160x128xi32, #tpu.memory_space<hbm>> -> memref<160x128xi32, #tpu.memory_space<hbm>>
      tpu.enqueue_dma source(%dma_start3A_101 : memref<160x128xi32, #tpu.memory_space<hbm>>) target(%arg8 : memref<160x128xi32, #tpu.memory_space<vmem>>) target_semaphore(%run_scoped3A : memref<!tpu.dma_semaphore, #tpu.memory_space<semaphore_mem>>)
      %dma_wait3A_102 = arith.constant 0 : i32
      %dma_wait3A_103 = arith.constant 0 : i32
      %dma_wait3A_104 = tpu.memref_slice %arg3[%arg1, %dma_wait3A_102, %dma_wait3A_103] : memref<16x160x128xi32, #tpu.memory_space<hbm>> -> memref<1x160x128xi32, #tpu.memory_space<hbm>>
      %dma_wait3A_105 = tpu.memref_squeeze %dma_wait3A_104 : memref<1x160x128xi32, #tpu.memory_space<hbm>> -> memref<160x128xi32, #tpu.memory_space<hbm>>
      %dma_wait3A_106 = arith.constant 0 : i32
      %dma_wait3A_107 = arith.constant 0 : i32
      %dma_wait3A_108 = tpu.memref_slice %arg3[%arg1, %dma_wait3A_106, %dma_wait3A_107] : memref<16x160x128xi32, #tpu.memory_space<hbm>> -> memref<1x160x128xi32, #tpu.memory_space<hbm>>
      %dma_wait3A_109 = tpu.memref_squeeze %dma_wait3A_108 : memref<1x160x128xi32, #tpu.memory_space<hbm>> -> memref<160x128xi32, #tpu.memory_space<hbm>>
      tpu.wait_dma2 semaphore(%run_scoped3A : memref<!tpu.dma_semaphore, #tpu.memory_space<semaphore_mem>>) src(%dma_wait3A_109 : memref<160x128xi32, #tpu.memory_space<hbm>>) dst(%arg8 : memref<160x128xi32, #tpu.memory_space<vmem>>)
      tpu.yield
    }) : () -> ()
    "tpu.region"() ({
      %run_scoped3A = tpu.sem_alloc : memref<!tpu.dma_semaphore, #tpu.memory_space<semaphore_mem>>
      %dma_start3A_94 = arith.constant 0 : i32
      %dma_start3A_95 = arith.constant 0 : i32
      %dma_start3A_96 = tpu.memref_slice %arg4[%arg1, %dma_start3A_94, %dma_start3A_95] : memref<16x160x128xi32, #tpu.memory_space<hbm>> -> memref<1x160x128xi32, #tpu.memory_space<hbm>>
      %dma_start3A_97 = tpu.memref_squeeze %dma_start3A_96 : memref<1x160x128xi32, #tpu.memory_space<hbm>> -> memref<160x128xi32, #tpu.memory_space<hbm>>
      %dma_start3A_98 = arith.constant 0 : i32
      %dma_start3A_99 = arith.constant 0 : i32
      %dma_start3A_100 = tpu.memref_slice %arg4[%arg1, %dma_start3A_98, %dma_start3A_99] : memref<16x160x128xi32, #tpu.memory_space<hbm>> -> memref<1x160x128xi32, #tpu.memory_space<hbm>>
      %dma_start3A_101 = tpu.memref_squeeze %dma_start3A_100 : memref<1x160x128xi32, #tpu.memory_space<hbm>> -> memref<160x128xi32, #tpu.memory_space<hbm>>
      tpu.enqueue_dma source(%dma_start3A_101 : memref<160x128xi32, #tpu.memory_space<hbm>>) target(%arg9 : memref<160x128xi32, #tpu.memory_space<vmem>>) target_semaphore(%run_scoped3A : memref<!tpu.dma_semaphore, #tpu.memory_space<semaphore_mem>>)
      %dma_wait3A_102 = arith.constant 0 : i32
      %dma_wait3A_103 = arith.constant 0 : i32
      %dma_wait3A_104 = tpu.memref_slice %arg4[%arg1, %dma_wait3A_102, %dma_wait3A_103] : memref<16x160x128xi32, #tpu.memory_space<hbm>> -> memref<1x160x128xi32, #tpu.memory_space<hbm>>
      %dma_wait3A_105 = tpu.memref_squeeze %dma_wait3A_104 : memref<1x160x128xi32, #tpu.memory_space<hbm>> -> memref<160x128xi32, #tpu.memory_space<hbm>>
      %dma_wait3A_106 = arith.constant 0 : i32
      %dma_wait3A_107 = arith.constant 0 : i32
      %dma_wait3A_108 = tpu.memref_slice %arg4[%arg1, %dma_wait3A_106, %dma_wait3A_107] : memref<16x160x128xi32, #tpu.memory_space<hbm>> -> memref<1x160x128xi32, #tpu.memory_space<hbm>>
      %dma_wait3A_109 = tpu.memref_squeeze %dma_wait3A_108 : memref<1x160x128xi32, #tpu.memory_space<hbm>> -> memref<160x128xi32, #tpu.memory_space<hbm>>
      tpu.wait_dma2 semaphore(%run_scoped3A : memref<!tpu.dma_semaphore, #tpu.memory_space<semaphore_mem>>) src(%dma_wait3A_109 : memref<160x128xi32, #tpu.memory_space<hbm>>) dst(%arg9 : memref<160x128xi32, #tpu.memory_space<vmem>>)
      tpu.yield
    }) : () -> ()
    %mul3A_1 = arith.constant 10240 : i32
    %mul3A_2 = arith.muli %arg0, %mul3A_1 : i32
    %scan3A = arith.constant 0 : i32
    %scan3A_3 = arith.constant 0 : i32
    %scan3A_4 = arith.constant 160 : i32
    %scan3A_5 = arith.addi %scan3A_3, %scan3A_4 : i32
    %scan3A_6 = arith.constant 1 : i32
    %scan3A_7 = scf.for %scan3A_94 = %scan3A_3 to %scan3A_5 step %scan3A_6 iter_args(%scan3A_95 = %scan3A) -> (i32)  : i32 {
      %get3A = arith.index_cast %scan3A_94 : i32 to index
      %get3A_96 = arith.constant 0 : index
      %get3A_97 = tpu.vector_load %arg8[%get3A, %get3A_96] {strides = array<i32>} : memref<160x128xi32, #tpu.memory_space<vmem>>, vector<1x16xi32>,
      %get3A_98 = vector.shape_cast %get3A_97 : vector<1x16xi32> to vector<16xi32>
      %add3A = vector.broadcast %mul3A_2 : i32 to vector<16xi32>
      %add3A_99 = arith.addi %get3A_98, %add3A : vector<16xi32>
      %swap3A = arith.index_cast %scan3A_94 : i32 to index
      %swap3A_100 = arith.constant 0 : index
      %swap3A_101 = tpu.vector_load %arg8[%swap3A, %swap3A_100] {strides = array<i32>} : memref<160x128xi32, #tpu.memory_space<vmem>>, vector<1x16xi32>,
      %swap3A_102 = vector.shape_cast %swap3A_101 : vector<1x16xi32> to vector<16xi32>
      %swap3A_103 = vector.shape_cast %add3A_99 : vector<16xi32> to vector<1x16xi32>
      tpu.vector_store %arg8[%swap3A, %swap3A_100], %swap3A_103 {strides = array<i32>} : memref<160x128xi32, #tpu.memory_space<vmem>>, vector<1x16xi32>,
      %get3A_104 = arith.index_cast %scan3A_94 : i32 to index
      %get3A_105 = arith.constant 16 : index
      %get3A_106 = tpu.vector_load %arg8[%get3A_104, %get3A_105] {strides = array<i32>} : memref<160x128xi32, #tpu.memory_space<vmem>>, vector<1x16xi32>,
      %get3A_107 = vector.shape_cast %get3A_106 : vector<1x16xi32> to vector<16xi32>
      %add3A_108 = vector.broadcast %mul3A_2 : i32 to vector<16xi32>
      %add3A_109 = arith.addi %get3A_107, %add3A_108 : vector<16xi32>
      %swap3A_110 = arith.index_cast %scan3A_94 : i32 to index
      %swap3A_111 = arith.constant 16 : index
      %swap3A_112 = tpu.vector_load %arg8[%swap3A_110, %swap3A_111] {strides = array<i32>} : memref<160x128xi32, #tpu.memory_space<vmem>>, vector<1x16xi32>,
      %swap3A_113 = vector.shape_cast %swap3A_112 : vector<1x16xi32> to vector<16xi32>
      %swap3A_114 = vector.shape_cast %add3A_109 : vector<16xi32> to vector<1x16xi32>
      tpu.vector_store %arg8[%swap3A_110, %swap3A_111], %swap3A_114 {strides = array<i32>} : memref<160x128xi32, #tpu.memory_space<vmem>>, vector<1x16xi32>,
      %get3A_115 = arith.index_cast %scan3A_94 : i32 to index
      %get3A_116 = arith.constant 32 : index
      %get3A_117 = tpu.vector_load %arg8[%get3A_115, %get3A_116] {strides = array<i32>} : memref<160x128xi32, #tpu.memory_space<vmem>>, vector<1x16xi32>,
      %get3A_118 = vector.shape_cast %get3A_117 : vector<1x16xi32> to vector<16xi32>
      %add3A_119 = vector.broadcast %mul3A_2 : i32 to vector<16xi32>
      %add3A_120 = arith.addi %get3A_118, %add3A_119 : vector<16xi32>
      %swap3A_121 = arith.index_cast %scan3A_94 : i32 to index
      %swap3A_122 = arith.constant 32 : index
      %swap3A_123 = tpu.vector_load %arg8[%swap3A_121, %swap3A_122] {strides = array<i32>} : memref<160x128xi32, #tpu.memory_space<vmem>>, vector<1x16xi32>,
      %swap3A_124 = vector.shape_cast %swap3A_123 : vector<1x16xi32> to vector<16xi32>
      %swap3A_125 = vector.shape_cast %add3A_120 : vector<16xi32> to vector<1x16xi32>
      tpu.vector_store %arg8[%swap3A_121, %swap3A_122], %swap3A_125 {strides = array<i32>} : memref<160x128xi32, #tpu.memory_space<vmem>>, vector<1x16xi32>,
      %get3A_126 = arith.index_cast %scan3A_94 : i32 to index
      %get3A_127 = arith.constant 48 : index
      %get3A_128 = tpu.vector_load %arg8[%get3A_126, %get3A_127] {strides = array<i32>} : memref<160x128xi32, #tpu.memory_space<vmem>>, vector<1x16xi32>,
      %get3A_129 = vector.shape_cast %get3A_128 : vector<1x16xi32> to vector<16xi32>
      %add3A_130 = vector.broadcast %mul3A_2 : i32 to vector<16xi32>
      %add3A_131 = arith.addi %get3A_129, %add3A_130 : vector<16xi32>
      %swap3A_132 = arith.index_cast %scan3A_94 : i32 to index
      %swap3A_133 = arith.constant 48 : index
      %swap3A_134 = tpu.vector_load %arg8[%swap3A_132, %swap3A_133] {strides = array<i32>} : memref<160x128xi32, #tpu.memory_space<vmem>>, vector<1x16xi32>,
      %swap3A_135 = vector.shape_cast %swap3A_134 : vector<1x16xi32> to vector<16xi32>
      %swap3A_136 = vector.shape_cast %add3A_131 : vector<16xi32> to vector<1x16xi32>
      tpu.vector_store %arg8[%swap3A_132, %swap3A_133], %swap3A_136 {strides = array<i32>} : memref<160x128xi32, #tpu.memory_space<vmem>>, vector<1x16xi32>,
      %get3A_137 = arith.index_cast %scan3A_94 : i32 to index
      %get3A_138 = arith.constant 64 : index
      %get3A_139 = tpu.vector_load %arg8[%get3A_137, %get3A_138] {strides = array<i32>} : memref<160x128xi32, #tpu.memory_space<vmem>>, vector<1x16xi32>,
      %get3A_140 = vector.shape_cast %get3A_139 : vector<1x16xi32> to vector<16xi32>
      %add3A_141 = vector.broadcast %mul3A_2 : i32 to vector<16xi32>
      %add3A_142 = arith.addi %get3A_140, %add3A_141 : vector<16xi32>
      %swap3A_143 = arith.index_cast %scan3A_94 : i32 to index
      %swap3A_144 = arith.constant 64 : index
      %swap3A_145 = tpu.vector_load %arg8[%swap3A_143, %swap3A_144] {strides = array<i32>} : memref<160x128xi32, #tpu.memory_space<vmem>>, vector<1x16xi32>,
      %swap3A_146 = vector.shape_cast %swap3A_145 : vector<1x16xi32> to vector<16xi32>
      %swap3A_147 = vector.shape_cast %add3A_142 : vector<16xi32> to vector<1x16xi32>
      tpu.vector_store %arg8[%swap3A_143, %swap3A_144], %swap3A_147 {strides = array<i32>} : memref<160x128xi32, #tpu.memory_space<vmem>>, vector<1x16xi32>,
      %get3A_148 = arith.index_cast %scan3A_94 : i32 to index
      %get3A_149 = arith.constant 80 : index
      %get3A_150 = tpu.vector_load %arg8[%get3A_148, %get3A_149] {strides = array<i32>} : memref<160x128xi32, #tpu.memory_space<vmem>>, vector<1x16xi32>,
      %get3A_151 = vector.shape_cast %get3A_150 : vector<1x16xi32> to vector<16xi32>
      %add3A_152 = vector.broadcast %mul3A_2 : i32 to vector<16xi32>
      %add3A_153 = arith.addi %get3A_151, %add3A_152 : vector<16xi32>
      %swap3A_154 = arith.index_cast %scan3A_94 : i32 to index
      %swap3A_155 = arith.constant 80 : index
      %swap3A_156 = tpu.vector_load %arg8[%swap3A_154, %swap3A_155] {strides = array<i32>} : memref<160x128xi32, #tpu.memory_space<vmem>>, vector<1x16xi32>,
      %swap3A_157 = vector.shape_cast %swap3A_156 : vector<1x16xi32> to vector<16xi32>
      %swap3A_158 = vector.shape_cast %add3A_153 : vector<16xi32> to vector<1x16xi32>
      tpu.vector_store %arg8[%swap3A_154, %swap3A_155], %swap3A_158 {strides = array<i32>} : memref<160x128xi32, #tpu.memory_space<vmem>>, vector<1x16xi32>,
      %get3A_159 = arith.index_cast %scan3A_94 : i32 to index
      %get3A_160 = arith.constant 96 : index
      %get3A_161 = tpu.vector_load %arg8[%get3A_159, %get3A_160] {strides = array<i32>} : memref<160x128xi32, #tpu.memory_space<vmem>>, vector<1x16xi32>,
      %get3A_162 = vector.shape_cast %get3A_161 : vector<1x16xi32> to vector<16xi32>
      %add3A_163 = vector.broadcast %mul3A_2 : i32 to vector<16xi32>
      %add3A_164 = arith.addi %get3A_162, %add3A_163 : vector<16xi32>
      %swap3A_165 = arith.index_cast %scan3A_94 : i32 to index
      %swap3A_166 = arith.constant 96 : index
      %swap3A_167 = tpu.vector_load %arg8[%swap3A_165, %swap3A_166] {strides = array<i32>} : memref<160x128xi32, #tpu.memory_space<vmem>>, vector<1x16xi32>,
      %swap3A_168 = vector.shape_cast %swap3A_167 : vector<1x16xi32> to vector<16xi32>
      %swap3A_169 = vector.shape_cast %add3A_164 : vector<16xi32> to vector<1x16xi32>
      tpu.vector_store %arg8[%swap3A_165, %swap3A_166], %swap3A_169 {strides = array<i32>} : memref<160x128xi32, #tpu.memory_space<vmem>>, vector<1x16xi32>,
      %get3A_170 = arith.index_cast %scan3A_94 : i32 to index
      %get3A_171 = arith.constant 112 : index
      %get3A_172 = tpu.vector_load %arg8[%get3A_170, %get3A_171] {strides = array<i32>} : memref<160x128xi32, #tpu.memory_space<vmem>>, vector<1x16xi32>,
      %get3A_173 = vector.shape_cast %get3A_172 : vector<1x16xi32> to vector<16xi32>
      %add3A_174 = vector.broadcast %mul3A_2 : i32 to vector<16xi32>
      %add3A_175 = arith.addi %get3A_173, %add3A_174 : vector<16xi32>
      %swap3A_176 = arith.index_cast %scan3A_94 : i32 to index
      %swap3A_177 = arith.constant 112 : index
      %swap3A_178 = tpu.vector_load %arg8[%swap3A_176, %swap3A_177] {strides = array<i32>} : memref<160x128xi32, #tpu.memory_space<vmem>>, vector<1x16xi32>,
      %swap3A_179 = vector.shape_cast %swap3A_178 : vector<1x16xi32> to vector<16xi32>
      %swap3A_180 = vector.shape_cast %add3A_175 : vector<16xi32> to vector<1x16xi32>
      tpu.vector_store %arg8[%swap3A_176, %swap3A_177], %swap3A_180 {strides = array<i32>} : memref<160x128xi32, #tpu.memory_space<vmem>>, vector<1x16xi32>,
      %scan3A_181 = arith.constant 0 : i32
      scf.yield %scan3A_181 : i32
    }
    %scan3A_8 = arith.constant 160 : i32
    %scan3A_9 = arith.constant 0 : i32
    %scan3A_10 = arith.constant 0 : i32
    %scan3A_11 = arith.constant 64 : i32
    %scan3A_12 = arith.addi %scan3A_10, %scan3A_11 : i32
    %scan3A_13 = arith.constant 1 : i32
    %scan3A_14 = scf.for %scan3A_94 = %scan3A_10 to %scan3A_12 step %scan3A_13 iter_args(%scan3A_95 = %scan3A_9) -> (i32)  : i32 {
      %broadcast_in_dim3A = arith.constant 0.000000e+00 : f32
      %broadcast_in_dim3A_96 = vector.broadcast %broadcast_in_dim3A : f32 to vector<16xf32>
      %swap3A = arith.index_cast %scan3A_94 : i32 to index
      %swap3A_97 = arith.constant 0 : index
      %swap3A_98 = tpu.vector_load %arg15[%swap3A, %swap3A_97] {strides = array<i32>} : memref<64x64xf32, #tpu.memory_space<vmem>>, vector<1x16xf32>,
      %swap3A_99 = vector.shape_cast %swap3A_98 : vector<1x16xf32> to vector<16xf32>
      %swap3A_100 = vector.shape_cast %broadcast_in_dim3A_96 : vector<16xf32> to vector<1x16xf32>
      tpu.vector_store %arg15[%swap3A, %swap3A_97], %swap3A_100 {strides = array<i32>} : memref<64x64xf32, #tpu.memory_space<vmem>>, vector<1x16xf32>,
      %swap3A_101 = arith.index_cast %scan3A_94 : i32 to index
      %swap3A_102 = arith.constant 16 : index
      %swap3A_103 = tpu.vector_load %arg15[%swap3A_101, %swap3A_102] {strides = array<i32>} : memref<64x64xf32, #tpu.memory_space<vmem>>, vector<1x16xf32>,
      %swap3A_104 = vector.shape_cast %swap3A_103 : vector<1x16xf32> to vector<16xf32>
      %swap3A_105 = vector.shape_cast %broadcast_in_dim3A_96 : vector<16xf32> to vector<1x16xf32>
      tpu.vector_store %arg15[%swap3A_101, %swap3A_102], %swap3A_105 {strides = array<i32>} : memref<64x64xf32, #tpu.memory_space<vmem>>, vector<1x16xf32>,
      %swap3A_106 = arith.index_cast %scan3A_94 : i32 to index
      %swap3A_107 = arith.constant 32 : index
      %swap3A_108 = tpu.vector_load %arg15[%swap3A_106, %swap3A_107] {strides = array<i32>} : memref<64x64xf32, #tpu.memory_space<vmem>>, vector<1x16xf32>,
      %swap3A_109 = vector.shape_cast %swap3A_108 : vector<1x16xf32> to vector<16xf32>
      %swap3A_110 = vector.shape_cast %broadcast_in_dim3A_96 : vector<16xf32> to vector<1x16xf32>
      tpu.vector_store %arg15[%swap3A_106, %swap3A_107], %swap3A_110 {strides = array<i32>} : memref<64x64xf32, #tpu.memory_space<vmem>>, vector<1x16xf32>,
      %swap3A_111 = arith.index_cast %scan3A_94 : i32 to index
      %swap3A_112 = arith.constant 48 : index
      %swap3A_113 = tpu.vector_load %arg15[%swap3A_111, %swap3A_112] {strides = array<i32>} : memref<64x64xf32, #tpu.memory_space<vmem>>, vector<1x16xf32>,
      %swap3A_114 = vector.shape_cast %swap3A_113 : vector<1x16xf32> to vector<16xf32>
      %swap3A_115 = vector.shape_cast %broadcast_in_dim3A_96 : vector<16xf32> to vector<1x16xf32>
      tpu.vector_store %arg15[%swap3A_111, %swap3A_112], %swap3A_115 {strides = array<i32>} : memref<64x64xf32, #tpu.memory_space<vmem>>, vector<1x16xf32>,
      %scan3A_116 = arith.constant 0 : i32
      scf.yield %scan3A_116 : i32
    }
    %scan3A_15 = arith.constant 64 : i32
    %scan3A_16 = arith.constant 0 : i32
    %scan3A_17 = arith.constant 0 : i32
    %scan3A_18 = arith.constant 10 : i32
    %scan3A_19 = arith.addi %scan3A_17, %scan3A_18 : i32
    %scan3A_20 = arith.constant 1 : i32
    %scan3A_21 = scf.for %scan3A_94 = %scan3A_17 to %scan3A_19 step %scan3A_20 iter_args(%scan3A_95 = %scan3A_16) -> (i32)  : i32 {
      %mul3A_96 = arith.constant 64 : i32
      %mul3A_97 = arith.muli %scan3A_94, %mul3A_96 : i32
      %add3A = arith.addi %mul3A_0, %mul3A_97 : i32
      "tpu.region"() ({
        %run_scoped3A = tpu.sem_alloc : memref<!tpu.dma_semaphore, #tpu.memory_space<semaphore_mem>>
        %dma_start3A_99 = arith.constant 0 : i32
        %dma_start3A_100 = tpu.memref_slice %arg7[%add3A, %dma_start3A_99] : memref<10240x64xf32, #tpu.memory_space<vmem_shared>> -> memref<64x64xf32, #tpu.memory_space<vmem_shared>>
        %dma_start3A_101 = arith.constant 0 : i32
        %dma_start3A_102 = tpu.memref_slice %arg7[%add3A, %dma_start3A_101] : memref<10240x64xf32, #tpu.memory_space<vmem_shared>> -> memref<64x64xf32, #tpu.memory_space<vmem_shared>>
        tpu.enqueue_dma source(%arg15 : memref<64x64xf32, #tpu.memory_space<vmem>>) target(%dma_start3A_102 : memref<64x64xf32, #tpu.memory_space<vmem_shared>>) target_semaphore(%run_scoped3A : memref<!tpu.dma_semaphore, #tpu.memory_space<semaphore_mem>>)
        %dma_wait3A_103 = arith.constant 0 : i32
        %dma_wait3A_104 = tpu.memref_slice %arg7[%add3A, %dma_wait3A_103] : memref<10240x64xf32, #tpu.memory_space<vmem_shared>> -> memref<64x64xf32, #tpu.memory_space<vmem_shared>>
        %dma_wait3A_105 = arith.constant 0 : i32
        %dma_wait3A_106 = tpu.memref_slice %arg7[%add3A, %dma_wait3A_105] : memref<10240x64xf32, #tpu.memory_space<vmem_shared>> -> memref<64x64xf32, #tpu.memory_space<vmem_shared>>
        tpu.wait_dma2 semaphore(%run_scoped3A : memref<!tpu.dma_semaphore, #tpu.memory_space<semaphore_mem>>) src(%arg15 : memref<64x64xf32, #tpu.memory_space<vmem>>) dst(%dma_wait3A_106 : memref<64x64xf32, #tpu.memory_space<vmem_shared>>)
        tpu.yield
      }) : () -> ()
      %scan3A_98 = arith.constant 0 : i32
      scf.yield %scan3A_98 : i32
    }
    %scan3A_22 = arith.constant 10 : i32
    %scan3A_23 = arith.constant 0 : i32
    %scan3A_24 = arith.constant 0 : i32
    %scan3A_25 = arith.constant 128 : i32
    %scan3A_26 = arith.addi %scan3A_24, %scan3A_25 : i32
    %scan3A_27 = arith.constant 1 : i32
    %scan3A_28 = scf.for %scan3A_94 = %scan3A_24 to %scan3A_26 step %scan3A_27 iter_args(%scan3A_95 = %scan3A_23) -> (i32)  : i32 {
      %broadcast_in_dim3A = arith.constant 1.000000e+00 : f32
      %broadcast_in_dim3A_96 = vector.broadcast %broadcast_in_dim3A : f32 to vector<16xf32>
      %swap3A = arith.index_cast %scan3A_94 : i32 to index
      %swap3A_97 = arith.constant 0 : index
      %swap3A_98 = tpu.vector_load %arg11[%swap3A, %swap3A_97] {strides = array<i32>} : memref<128x64xf32, #tpu.memory_space<vmem>>, vector<1x16xf32>,
      %swap3A_99 = vector.shape_cast %swap3A_98 : vector<1x16xf32> to vector<16xf32>
      %swap3A_100 = vector.shape_cast %broadcast_in_dim3A_96 : vector<16xf32> to vector<1x16xf32>
      tpu.vector_store %arg11[%swap3A, %swap3A_97], %swap3A_100 {strides = array<i32>} : memref<128x64xf32, #tpu.memory_space<vmem>>, vector<1x16xf32>,
      %swap3A_101 = arith.index_cast %scan3A_94 : i32 to index
      %swap3A_102 = arith.constant 16 : index
      %swap3A_103 = tpu.vector_load %arg11[%swap3A_101, %swap3A_102] {strides = array<i32>} : memref<128x64xf32, #tpu.memory_space<vmem>>, vector<1x16xf32>,
      %swap3A_104 = vector.shape_cast %swap3A_103 : vector<1x16xf32> to vector<16xf32>
      %swap3A_105 = vector.shape_cast %broadcast_in_dim3A_96 : vector<16xf32> to vector<1x16xf32>
      tpu.vector_store %arg11[%swap3A_101, %swap3A_102], %swap3A_105 {strides = array<i32>} : memref<128x64xf32, #tpu.memory_space<vmem>>, vector<1x16xf32>,
      %swap3A_106 = arith.index_cast %scan3A_94 : i32 to index
      %swap3A_107 = arith.constant 32 : index
      %swap3A_108 = tpu.vector_load %arg11[%swap3A_106, %swap3A_107] {strides = array<i32>} : memref<128x64xf32, #tpu.memory_space<vmem>>, vector<1x16xf32>,
      %swap3A_109 = vector.shape_cast %swap3A_108 : vector<1x16xf32> to vector<16xf32>
      %swap3A_110 = vector.shape_cast %broadcast_in_dim3A_96 : vector<16xf32> to vector<1x16xf32>
      tpu.vector_store %arg11[%swap3A_106, %swap3A_107], %swap3A_110 {strides = array<i32>} : memref<128x64xf32, #tpu.memory_space<vmem>>, vector<1x16xf32>,
      %swap3A_111 = arith.index_cast %scan3A_94 : i32 to index
      %swap3A_112 = arith.constant 48 : index
      %swap3A_113 = tpu.vector_load %arg11[%swap3A_111, %swap3A_112] {strides = array<i32>} : memref<128x64xf32, #tpu.memory_space<vmem>>, vector<1x16xf32>,
      %swap3A_114 = vector.shape_cast %swap3A_113 : vector<1x16xf32> to vector<16xf32>
      %swap3A_115 = vector.shape_cast %broadcast_in_dim3A_96 : vector<16xf32> to vector<1x16xf32>
      tpu.vector_store %arg11[%swap3A_111, %swap3A_112], %swap3A_115 {strides = array<i32>} : memref<128x64xf32, #tpu.memory_space<vmem>>, vector<1x16xf32>,
      %scan3A_116 = arith.constant 0 : i32
      scf.yield %scan3A_116 : i32
    }
    %scan3A_29 = arith.constant 128 : i32
    %barrier3A = arith.constant 0 : index
    tpu.barrier barrier_id(%barrier3A)
    %scan3A_30 = arith.constant 0 : i32
    %scan3A_31 = arith.constant 0 : i32
    %scan3A_32 = arith.constant 160 : i32
    %scan3A_33 = arith.addi %scan3A_31, %scan3A_32 : i32
    %scan3A_34 = arith.constant 1 : i32
    %scan3A_35 = scf.for %scan3A_94 = %scan3A_31 to %scan3A_33 step %scan3A_34 iter_args(%scan3A_95 = %scan3A_30) -> (i32)  : i32 {
      "tpu.region"() ({
        %run_scoped3A = tpu.sem_alloc : memref<!tpu.dma_semaphore, #tpu.memory_space<semaphore_mem>>
        %dma_start3A_97 = arith.constant 0 : i32
        %dma_start3A_98 = tpu.memref_slice %arg9[%scan3A_94, %dma_start3A_97] : memref<160x128xi32, #tpu.memory_space<vmem>> -> memref<1x128xi32, #tpu.memory_space<vmem>>
        %dma_start3A_99 = tpu.memref_squeeze %dma_start3A_98 : memref<1x128xi32, #tpu.memory_space<vmem>> -> memref<128xi32, #tpu.memory_space<vmem>>
        %dma_start3A_100 = arith.constant 0 : i32
        %dma_start3A_101 = arith.constant 0 : i32
        %dma_start3A_102 = tpu.memref_slice %arg7[%dma_start3A_100, %dma_start3A_101] : memref<10240x64xf32, #tpu.memory_space<vmem_shared>> -> memref<10240x64xf32, #tpu.memory_space<vmem_shared>>
        tpu.enqueue_indirect_dma source(%arg11 : memref<128x64xf32, #tpu.memory_space<vmem>>) target(%dma_start3A_102 : memref<10240x64xf32, #tpu.memory_space<vmem_shared>>) offsets(%dma_start3A_99 : memref<128xi32, #tpu.memory_space<vmem>>) semaphore(%run_scoped3A : memref<!tpu.dma_semaphore, #tpu.memory_space<semaphore_mem>>) {add = true}
        %dma_wait3A_103 = arith.constant 0 : i32
        %dma_wait3A_104 = tpu.memref_slice %arg9[%scan3A_94, %dma_wait3A_103] : memref<160x128xi32, #tpu.memory_space<vmem>> -> memref<1x128xi32, #tpu.memory_space<vmem>>
        %dma_wait3A_105 = tpu.memref_squeeze %dma_wait3A_104 : memref<1x128xi32, #tpu.memory_space<vmem>> -> memref<128xi32, #tpu.memory_space<vmem>>
        %dma_wait3A_106 = arith.constant 0 : i32
        %dma_wait3A_107 = arith.constant 0 : i32
        %dma_wait3A_108 = tpu.memref_slice %arg7[%dma_wait3A_106, %dma_wait3A_107] : memref<10240x64xf32, #tpu.memory_space<vmem_shared>> -> memref<10240x64xf32, #tpu.memory_space<vmem_shared>>
        tpu.wait_indirect_dma semaphore(%run_scoped3A : memref<!tpu.dma_semaphore, #tpu.memory_space<semaphore_mem>>) src(%arg11 : memref<128x64xf32, #tpu.memory_space<vmem>>) dst(%dma_wait3A_108 : memref<10240x64xf32, #tpu.memory_space<vmem_shared>>)
        tpu.yield
      }) : () -> ()
      %scan3A_96 = arith.constant 0 : i32
      scf.yield %scan3A_96 : i32
    }
    %scan3A_36 = arith.constant 160 : i32
    %barrier3A_37 = arith.constant 0 : index
    tpu.barrier barrier_id(%barrier3A_37)
    %scan3A_38 = arith.constant 0 : i32
    %scan3A_39 = arith.constant 0 : i32
    %scan3A_40 = arith.constant 10 : i32
    %scan3A_41 = arith.addi %scan3A_39, %scan3A_40 : i32
    %scan3A_42 = arith.constant 1 : i32
    %scan3A_43 = scf.for %scan3A_94 = %scan3A_39 to %scan3A_41 step %scan3A_42 iter_args(%scan3A_95 = %scan3A_38) -> (i32)  : i32 {
      %mul3A_96 = arith.constant 64 : i32
      %mul3A_97 = arith.muli %scan3A_94, %mul3A_96 : i32
      %add3A = arith.addi %mul3A_0, %mul3A_97 : i32
      "tpu.region"() ({
        %run_scoped3A = tpu.sem_alloc : memref<!tpu.dma_semaphore, #tpu.memory_space<semaphore_mem>>
        %dma_start3A_107 = arith.constant 0 : i32
        %dma_start3A_108 = arith.constant 0 : i32
        %dma_start3A_109 = tpu.memref_slice %arg11[%dma_start3A_107, %dma_start3A_108] : memref<128x64xf32, #tpu.memory_space<vmem>> -> memref<64x64xf32, #tpu.memory_space<vmem>>
        %dma_start3A_110 = arith.constant 0 : i32
        %dma_start3A_111 = tpu.memref_slice %arg7[%add3A, %dma_start3A_110] : memref<10240x64xf32, #tpu.memory_space<vmem_shared>> -> memref<64x64xf32, #tpu.memory_space<vmem_shared>>
        %dma_start3A_112 = arith.constant 0 : i32
        %dma_start3A_113 = arith.constant 0 : i32
        %dma_start3A_114 = tpu.memref_slice %arg11[%dma_start3A_112, %dma_start3A_113] : memref<128x64xf32, #tpu.memory_space<vmem>> -> memref<64x64xf32, #tpu.memory_space<vmem>>
        %dma_start3A_115 = arith.constant 0 : i32
        %dma_start3A_116 = tpu.memref_slice %arg7[%add3A, %dma_start3A_115] : memref<10240x64xf32, #tpu.memory_space<vmem_shared>> -> memref<64x64xf32, #tpu.memory_space<vmem_shared>>
        tpu.enqueue_dma source(%dma_start3A_116 : memref<64x64xf32, #tpu.memory_space<vmem_shared>>) target(%dma_start3A_114 : memref<64x64xf32, #tpu.memory_space<vmem>>) target_semaphore(%run_scoped3A : memref<!tpu.dma_semaphore, #tpu.memory_space<semaphore_mem>>)
        %dma_wait3A_117 = arith.constant 0 : i32
        %dma_wait3A_118 = arith.constant 0 : i32
        %dma_wait3A_119 = tpu.memref_slice %arg11[%dma_wait3A_117, %dma_wait3A_118] : memref<128x64xf32, #tpu.memory_space<vmem>> -> memref<64x64xf32, #tpu.memory_space<vmem>>
        %dma_wait3A_120 = arith.constant 0 : i32
        %dma_wait3A_121 = tpu.memref_slice %arg7[%add3A, %dma_wait3A_120] : memref<10240x64xf32, #tpu.memory_space<vmem_shared>> -> memref<64x64xf32, #tpu.memory_space<vmem_shared>>
        %dma_wait3A_122 = arith.constant 0 : i32
        %dma_wait3A_123 = arith.constant 0 : i32
        %dma_wait3A_124 = tpu.memref_slice %arg11[%dma_wait3A_122, %dma_wait3A_123] : memref<128x64xf32, #tpu.memory_space<vmem>> -> memref<64x64xf32, #tpu.memory_space<vmem>>
        %dma_wait3A_125 = arith.constant 0 : i32
        %dma_wait3A_126 = tpu.memref_slice %arg7[%add3A, %dma_wait3A_125] : memref<10240x64xf32, #tpu.memory_space<vmem_shared>> -> memref<64x64xf32, #tpu.memory_space<vmem_shared>>
        tpu.wait_dma2 semaphore(%run_scoped3A : memref<!tpu.dma_semaphore, #tpu.memory_space<semaphore_mem>>) src(%dma_wait3A_126 : memref<64x64xf32, #tpu.memory_space<vmem_shared>>) dst(%dma_wait3A_124 : memref<64x64xf32, #tpu.memory_space<vmem>>)
        tpu.yield
      }) : () -> ()
      "tpu.region"() ({
        %run_scoped3A = tpu.sem_alloc : memref<!tpu.dma_semaphore, #tpu.memory_space<semaphore_mem>>
        %dma_start3A_107 = arith.constant 0 : i32
        %dma_start3A_108 = arith.constant 0 : i32
        %dma_start3A_109 = tpu.memref_slice %arg12[%dma_start3A_107, %dma_start3A_108] : memref<128x64xf32, #tpu.memory_space<vmem>> -> memref<64x64xf32, #tpu.memory_space<vmem>>
        %dma_start3A_110 = arith.constant 0 : i32
        %dma_start3A_111 = arith.constant 0 : i32
        %dma_start3A_112 = tpu.memref_slice %arg2[%arg0, %dma_start3A_110, %dma_start3A_111] : memref<2x10240x64xf32, #tpu.memory_space<hbm>> -> memref<1x10240x64xf32, #tpu.memory_space<hbm>>
        %dma_start3A_113 = tpu.memref_squeeze %dma_start3A_112 : memref<1x10240x64xf32, #tpu.memory_space<hbm>> -> memref<10240x64xf32, #tpu.memory_space<hbm>>
        %dma_start3A_114 = arith.constant 0 : i32
        %dma_start3A_115 = tpu.memref_slice %dma_start3A_113[%add3A, %dma_start3A_114] : memref<10240x64xf32, #tpu.memory_space<hbm>> -> memref<64x64xf32, #tpu.memory_space<hbm>>
        %dma_start3A_116 = arith.constant 0 : i32
        %dma_start3A_117 = arith.constant 0 : i32
        %dma_start3A_118 = tpu.memref_slice %arg12[%dma_start3A_116, %dma_start3A_117] : memref<128x64xf32, #tpu.memory_space<vmem>> -> memref<64x64xf32, #tpu.memory_space<vmem>>
        %dma_start3A_119 = arith.constant 0 : i32
        %dma_start3A_120 = arith.constant 0 : i32
        %dma_start3A_121 = tpu.memref_slice %arg2[%arg0, %dma_start3A_119, %dma_start3A_120] : memref<2x10240x64xf32, #tpu.memory_space<hbm>> -> memref<1x10240x64xf32, #tpu.memory_space<hbm>>
        %dma_start3A_122 = tpu.memref_squeeze %dma_start3A_121 : memref<1x10240x64xf32, #tpu.memory_space<hbm>> -> memref<10240x64xf32, #tpu.memory_space<hbm>>
        %dma_start3A_123 = arith.constant 0 : i32
        %dma_start3A_124 = tpu.memref_slice %dma_start3A_122[%add3A, %dma_start3A_123] : memref<10240x64xf32, #tpu.memory_space<hbm>> -> memref<64x64xf32, #tpu.memory_space<hbm>>
        tpu.enqueue_dma source(%dma_start3A_124 : memref<64x64xf32, #tpu.memory_space<hbm>>) target(%dma_start3A_118 : memref<64x64xf32, #tpu.memory_space<vmem>>) target_semaphore(%run_scoped3A : memref<!tpu.dma_semaphore, #tpu.memory_space<semaphore_mem>>)
        %dma_wait3A_125 = arith.constant 0 : i32
        %dma_wait3A_126 = arith.constant 0 : i32
        %dma_wait3A_127 = tpu.memref_slice %arg12[%dma_wait3A_125, %dma_wait3A_126] : memref<128x64xf32, #tpu.memory_space<vmem>> -> memref<64x64xf32, #tpu.memory_space<vmem>>
        %dma_wait3A_128 = arith.constant 0 : i32
        %dma_wait3A_129 = arith.constant 0 : i32
        %dma_wait3A_130 = tpu.memref_slice %arg2[%arg0, %dma_wait3A_128, %dma_wait3A_129] : memref<2x10240x64xf32, #tpu.memory_space<hbm>> -> memref<1x10240x64xf32, #tpu.memory_space<hbm>>
        %dma_wait3A_131 = tpu.memref_squeeze %dma_wait3A_130 : memref<1x10240x64xf32, #tpu.memory_space<hbm>> -> memref<10240x64xf32, #tpu.memory_space<hbm>>
        %dma_wait3A_132 = arith.constant 0 : i32
        %dma_wait3A_133 = tpu.memref_slice %dma_wait3A_131[%add3A, %dma_wait3A_132] : memref<10240x64xf32, #tpu.memory_space<hbm>> -> memref<64x64xf32, #tpu.memory_space<hbm>>
        %dma_wait3A_134 = arith.constant 0 : i32
        %dma_wait3A_135 = arith.constant 0 : i32
        %dma_wait3A_136 = tpu.memref_slice %arg12[%dma_wait3A_134, %dma_wait3A_135] : memref<128x64xf32, #tpu.memory_space<vmem>> -> memref<64x64xf32, #tpu.memory_space<vmem>>
        %dma_wait3A_137 = arith.constant 0 : i32
        %dma_wait3A_138 = arith.constant 0 : i32
        %dma_wait3A_139 = tpu.memref_slice %arg2[%arg0, %dma_wait3A_137, %dma_wait3A_138] : memref<2x10240x64xf32, #tpu.memory_space<hbm>> -> memref<1x10240x64xf32, #tpu.memory_space<hbm>>
        %dma_wait3A_140 = tpu.memref_squeeze %dma_wait3A_139 : memref<1x10240x64xf32, #tpu.memory_space<hbm>> -> memref<10240x64xf32, #tpu.memory_space<hbm>>
        %dma_wait3A_141 = arith.constant 0 : i32
        %dma_wait3A_142 = tpu.memref_slice %dma_wait3A_140[%add3A, %dma_wait3A_141] : memref<10240x64xf32, #tpu.memory_space<hbm>> -> memref<64x64xf32, #tpu.memory_space<hbm>>
        tpu.wait_dma2 semaphore(%run_scoped3A : memref<!tpu.dma_semaphore, #tpu.memory_space<semaphore_mem>>) src(%dma_wait3A_142 : memref<64x64xf32, #tpu.memory_space<hbm>>) dst(%dma_wait3A_136 : memref<64x64xf32, #tpu.memory_space<vmem>>)
        tpu.yield
      }) : () -> ()
      %scan3A_98 = arith.constant 0 : i32
      %scan3A_99 = arith.constant 0 : i32
      %scan3A_100 = arith.constant 64 : i32
      %scan3A_101 = arith.addi %scan3A_99, %scan3A_100 : i32
      %scan3A_102 = arith.constant 1 : i32
      %scan3A_103 = scf.for %scan3A_107 = %scan3A_99 to %scan3A_101 step %scan3A_102 iter_args(%scan3A_108 = %scan3A_98) -> (i32)  : i32 {
        %mul3A_109 = arith.constant 64 : i32
        %mul3A_110 = arith.muli %scan3A_94, %mul3A_109 : i32
        %add3A_111 = arith.addi %mul3A_110, %scan3A_107 : i32
        %get3A = arith.index_cast %scan3A_107 : i32 to index
        %get3A_112 = arith.constant 0 : index
        %get3A_113 = tpu.vector_load %arg11[%get3A, %get3A_112] {strides = array<i32>} : memref<128x64xf32, #tpu.memory_space<vmem>>, vector<1x16xf32>,
        %get3A_114 = vector.shape_cast %get3A_113 : vector<1x16xf32> to vector<16xf32>
        %max3A = arith.constant 1.000000e+00 : f32
        %max3A_115 = vector.broadcast %max3A : f32 to vector<16xf32>
        %max3A_116 = arith.maximumf %get3A_114, %max3A_115 : vector<16xf32>
        %bitcast_convert_type3A = tpu.bitcast %max3A_116 : vector<16xf32> -> vector<16xi32>
        %shift_right_arithmetic3A = arith.constant 1 : i32
        %shift_right_arithmetic3A_117 = vector.broadcast %shift_right_arithmetic3A : i32 to vector<16xi32>
        %shift_right_arithmetic3A_118 = arith.shrsi %bitcast_convert_type3A, %shift_right_arithmetic3A_117 : vector<16xi32>
        %sub3A = arith.constant 1597463007 : i32
        %sub3A_119 = vector.broadcast %sub3A : i32 to vector<16xi32>
        %sub3A_120 = arith.subi %sub3A_119, %shift_right_arithmetic3A_118 : vector<16xi32>
        %bitcast_convert_type3A_121 = tpu.bitcast %sub3A_120 : vector<16xi32> -> vector<16xf32>
        %mul3A_122 = arith.constant 5.000000e-01 : f32
        %mul3A_123 = vector.broadcast %mul3A_122 : f32 to vector<16xf32>
        %mul3A_124 = arith.mulf %mul3A_123, %max3A_116 : vector<16xf32>
        %mul3A_125 = arith.mulf %mul3A_124, %bitcast_convert_type3A_121 : vector<16xf32>
        %mul3A_126 = arith.mulf %mul3A_125, %bitcast_convert_type3A_121 : vector<16xf32>
        %sub3A_127 = arith.constant 1.500000e+00 : f32
        %sub3A_128 = vector.broadcast %sub3A_127 : f32 to vector<16xf32>
        %sub3A_129 = arith.subf %sub3A_128, %mul3A_126 : vector<16xf32>
        %mul3A_130 = arith.mulf %bitcast_convert_type3A_121, %sub3A_129 : vector<16xf32>
        %mul3A_131 = arith.constant 5.000000e-01 : f32
        %mul3A_132 = vector.broadcast %mul3A_131 : f32 to vector<16xf32>
        %mul3A_133 = arith.mulf %mul3A_132, %max3A_116 : vector<16xf32>
        %mul3A_134 = arith.mulf %mul3A_133, %mul3A_130 : vector<16xf32>
        %mul3A_135 = arith.mulf %mul3A_134, %mul3A_130 : vector<16xf32>
        %sub3A_136 = arith.constant 1.500000e+00 : f32
        %sub3A_137 = vector.broadcast %sub3A_136 : f32 to vector<16xf32>
        %sub3A_138 = arith.subf %sub3A_137, %mul3A_135 : vector<16xf32>
        %mul3A_139 = arith.mulf %mul3A_130, %sub3A_138 : vector<16xf32>
        %mul3A_140 = arith.constant 5.000000e-01 : f32
        %mul3A_141 = vector.broadcast %mul3A_140 : f32 to vector<16xf32>
        %mul3A_142 = arith.mulf %mul3A_141, %max3A_116 : vector<16xf32>
        %mul3A_143 = arith.mulf %mul3A_142, %mul3A_139 : vector<16xf32>
        %mul3A_144 = arith.mulf %mul3A_143, %mul3A_139 : vector<16xf32>
        %sub3A_145 = arith.constant 1.500000e+00 : f32
        %sub3A_146 = vector.broadcast %sub3A_145 : f32 to vector<16xf32>
        %sub3A_147 = arith.subf %sub3A_146, %mul3A_144 : vector<16xf32>
        %mul3A_148 = arith.mulf %mul3A_139, %sub3A_147 : vector<16xf32>
        %swap3A = arith.index_cast %add3A_111 : i32 to index
        %swap3A_149 = arith.constant 0 : index
        %swap3A_150 = tpu.vector_load %arg10[%swap3A, %swap3A_149] {strides = array<i32>} : memref<640x16xf32, #tpu.memory_space<vmem>>, vector<1x16xf32>,
        %swap3A_151 = vector.shape_cast %swap3A_150 : vector<1x16xf32> to vector<16xf32>
        %swap3A_152 = vector.shape_cast %mul3A_148 : vector<16xf32> to vector<1x16xf32>
        tpu.vector_store %arg10[%swap3A, %swap3A_149], %swap3A_152 {strides = array<i32>} : memref<640x16xf32, #tpu.memory_space<vmem>>, vector<1x16xf32>,
        %get3A_153 = arith.index_cast %scan3A_107 : i32 to index
        %get3A_154 = arith.constant 0 : index
        %get3A_155 = tpu.vector_load %arg12[%get3A_153, %get3A_154] {strides = array<i32>} : memref<128x64xf32, #tpu.memory_space<vmem>>, vector<1x16xf32>,
        %get3A_156 = vector.shape_cast %get3A_155 : vector<1x16xf32> to vector<16xf32>
        %mul3A_157 = arith.mulf %mul3A_148, %get3A_156 : vector<16xf32>
        %swap3A_158 = arith.index_cast %scan3A_107 : i32 to index
        %swap3A_159 = arith.constant 0 : index
        %swap3A_160 = tpu.vector_load %arg11[%swap3A_158, %swap3A_159] {strides = array<i32>} : memref<128x64xf32, #tpu.memory_space<vmem>>, vector<1x16xf32>,
        %swap3A_161 = vector.shape_cast %swap3A_160 : vector<1x16xf32> to vector<16xf32>
        %swap3A_162 = vector.shape_cast %mul3A_157 : vector<16xf32> to vector<1x16xf32>
        tpu.vector_store %arg11[%swap3A_158, %swap3A_159], %swap3A_162 {strides = array<i32>} : memref<128x64xf32, #tpu.memory_space<vmem>>, vector<1x16xf32>,
        %get3A_163 = arith.index_cast %scan3A_107 : i32 to index
        %get3A_164 = arith.constant 16 : index
        %get3A_165 = tpu.vector_load %arg12[%get3A_163, %get3A_164] {strides = array<i32>} : memref<128x64xf32, #tpu.memory_space<vmem>>, vector<1x16xf32>,
        %get3A_166 = vector.shape_cast %get3A_165 : vector<1x16xf32> to vector<16xf32>
        %mul3A_167 = arith.mulf %mul3A_148, %get3A_166 : vector<16xf32>
        %swap3A_168 = arith.index_cast %scan3A_107 : i32 to index
        %swap3A_169 = arith.constant 16 : index
        %swap3A_170 = tpu.vector_load %arg11[%swap3A_168, %swap3A_169] {strides = array<i32>} : memref<128x64xf32, #tpu.memory_space<vmem>>, vector<1x16xf32>,
        %swap3A_171 = vector.shape_cast %swap3A_170 : vector<1x16xf32> to vector<16xf32>
        %swap3A_172 = vector.shape_cast %mul3A_167 : vector<16xf32> to vector<1x16xf32>
        tpu.vector_store %arg11[%swap3A_168, %swap3A_169], %swap3A_172 {strides = array<i32>} : memref<128x64xf32, #tpu.memory_space<vmem>>, vector<1x16xf32>,
        %get3A_173 = arith.index_cast %scan3A_107 : i32 to index
        %get3A_174 = arith.constant 32 : index
        %get3A_175 = tpu.vector_load %arg12[%get3A_173, %get3A_174] {strides = array<i32>} : memref<128x64xf32, #tpu.memory_space<vmem>>, vector<1x16xf32>,
        %get3A_176 = vector.shape_cast %get3A_175 : vector<1x16xf32> to vector<16xf32>
        %mul3A_177 = arith.mulf %mul3A_148, %get3A_176 : vector<16xf32>
        %swap3A_178 = arith.index_cast %scan3A_107 : i32 to index
        %swap3A_179 = arith.constant 32 : index
        %swap3A_180 = tpu.vector_load %arg11[%swap3A_178, %swap3A_179] {strides = array<i32>} : memref<128x64xf32, #tpu.memory_space<vmem>>, vector<1x16xf32>,
        %swap3A_181 = vector.shape_cast %swap3A_180 : vector<1x16xf32> to vector<16xf32>
        %swap3A_182 = vector.shape_cast %mul3A_177 : vector<16xf32> to vector<1x16xf32>
        tpu.vector_store %arg11[%swap3A_178, %swap3A_179], %swap3A_182 {strides = array<i32>} : memref<128x64xf32, #tpu.memory_space<vmem>>, vector<1x16xf32>,
        %get3A_183 = arith.index_cast %scan3A_107 : i32 to index
        %get3A_184 = arith.constant 48 : index
        %get3A_185 = tpu.vector_load %arg12[%get3A_183, %get3A_184] {strides = array<i32>} : memref<128x64xf32, #tpu.memory_space<vmem>>, vector<1x16xf32>,
        %get3A_186 = vector.shape_cast %get3A_185 : vector<1x16xf32> to vector<16xf32>
        %mul3A_187 = arith.mulf %mul3A_148, %get3A_186 : vector<16xf32>
        %swap3A_188 = arith.index_cast %scan3A_107 : i32 to index
        %swap3A_189 = arith.constant 48 : index
        %swap3A_190 = tpu.vector_load %arg11[%swap3A_188, %swap3A_189] {strides = array<i32>} : memref<128x64xf32, #tpu.memory_space<vmem>>, vector<1x16xf32>,
        %swap3A_191 = vector.shape_cast %swap3A_190 : vector<1x16xf32> to vector<16xf32>
        %swap3A_192 = vector.shape_cast %mul3A_187 : vector<16xf32> to vector<1x16xf32>
        tpu.vector_store %arg11[%swap3A_188, %swap3A_189], %swap3A_192 {strides = array<i32>} : memref<128x64xf32, #tpu.memory_space<vmem>>, vector<1x16xf32>,
        %scan3A_193 = arith.constant 0 : i32
        scf.yield %scan3A_193 : i32
      }
      %scan3A_104 = arith.constant 64 : i32
      %add3A_105 = arith.addi %mul3A_2, %add3A : i32
      "tpu.region"() ({
        %run_scoped3A = tpu.sem_alloc : memref<!tpu.dma_semaphore, #tpu.memory_space<semaphore_mem>>
        %dma_start3A_107 = arith.constant 0 : i32
        %dma_start3A_108 = arith.constant 0 : i32
        %dma_start3A_109 = tpu.memref_slice %arg11[%dma_start3A_107, %dma_start3A_108] : memref<128x64xf32, #tpu.memory_space<vmem>> -> memref<64x64xf32, #tpu.memory_space<vmem>>
        %dma_start3A_110 = arith.constant 0 : i32
        %dma_start3A_111 = tpu.memref_slice %arg6[%add3A_105, %dma_start3A_110] : memref<20480x64xf32, #tpu.memory_space<hbm>> -> memref<64x64xf32, #tpu.memory_space<hbm>>
        %dma_start3A_112 = arith.constant 0 : i32
        %dma_start3A_113 = tpu.memref_slice %arg6[%add3A_105, %dma_start3A_112] : memref<20480x64xf32, #tpu.memory_space<hbm>> -> memref<64x64xf32, #tpu.memory_space<hbm>>
        %dma_start3A_114 = arith.constant 0 : i32
        %dma_start3A_115 = arith.constant 0 : i32
        %dma_start3A_116 = tpu.memref_slice %arg11[%dma_start3A_114, %dma_start3A_115] : memref<128x64xf32, #tpu.memory_space<vmem>> -> memref<64x64xf32, #tpu.memory_space<vmem>>
        tpu.enqueue_dma source(%dma_start3A_116 : memref<64x64xf32, #tpu.memory_space<vmem>>) target(%dma_start3A_113 : memref<64x64xf32, #tpu.memory_space<hbm>>) target_semaphore(%run_scoped3A : memref<!tpu.dma_semaphore, #tpu.memory_space<semaphore_mem>>)
        %dma_wait3A_117 = arith.constant 0 : i32
        %dma_wait3A_118 = arith.constant 0 : i32
        %dma_wait3A_119 = tpu.memref_slice %arg11[%dma_wait3A_117, %dma_wait3A_118] : memref<128x64xf32, #tpu.memory_space<vmem>> -> memref<64x64xf32, #tpu.memory_space<vmem>>
        %dma_wait3A_120 = arith.constant 0 : i32
        %dma_wait3A_121 = tpu.memref_slice %arg6[%add3A_105, %dma_wait3A_120] : memref<20480x64xf32, #tpu.memory_space<hbm>> -> memref<64x64xf32, #tpu.memory_space<hbm>>
        %dma_wait3A_122 = arith.constant 0 : i32
        %dma_wait3A_123 = tpu.memref_slice %arg6[%add3A_105, %dma_wait3A_122] : memref<20480x64xf32, #tpu.memory_space<hbm>> -> memref<64x64xf32, #tpu.memory_space<hbm>>
        %dma_wait3A_124 = arith.constant 0 : i32
        %dma_wait3A_125 = arith.constant 0 : i32
        %dma_wait3A_126 = tpu.memref_slice %arg11[%dma_wait3A_124, %dma_wait3A_125] : memref<128x64xf32, #tpu.memory_space<vmem>> -> memref<64x64xf32, #tpu.memory_space<vmem>>
        tpu.wait_dma2 semaphore(%run_scoped3A : memref<!tpu.dma_semaphore, #tpu.memory_space<semaphore_mem>>) src(%dma_wait3A_126 : memref<64x64xf32, #tpu.memory_space<vmem>>) dst(%dma_wait3A_123 : memref<64x64xf32, #tpu.memory_space<hbm>>)
        tpu.yield
      }) : () -> ()
      "tpu.region"() ({
        %run_scoped3A = tpu.sem_alloc : memref<!tpu.dma_semaphore, #tpu.memory_space<semaphore_mem>>
        %dma_start3A_107 = arith.constant 0 : i32
        %dma_start3A_108 = tpu.memref_slice %arg7[%add3A, %dma_start3A_107] : memref<10240x64xf32, #tpu.memory_space<vmem_shared>> -> memref<64x64xf32, #tpu.memory_space<vmem_shared>>
        %dma_start3A_109 = arith.constant 0 : i32
        %dma_start3A_110 = tpu.memref_slice %arg7[%add3A, %dma_start3A_109] : memref<10240x64xf32, #tpu.memory_space<vmem_shared>> -> memref<64x64xf32, #tpu.memory_space<vmem_shared>>
        tpu.enqueue_dma source(%arg15 : memref<64x64xf32, #tpu.memory_space<vmem>>) target(%dma_start3A_110 : memref<64x64xf32, #tpu.memory_space<vmem_shared>>) target_semaphore(%run_scoped3A : memref<!tpu.dma_semaphore, #tpu.memory_space<semaphore_mem>>)
        %dma_wait3A_111 = arith.constant 0 : i32
        %dma_wait3A_112 = tpu.memref_slice %arg7[%add3A, %dma_wait3A_111] : memref<10240x64xf32, #tpu.memory_space<vmem_shared>> -> memref<64x64xf32, #tpu.memory_space<vmem_shared>>
        %dma_wait3A_113 = arith.constant 0 : i32
        %dma_wait3A_114 = tpu.memref_slice %arg7[%add3A, %dma_wait3A_113] : memref<10240x64xf32, #tpu.memory_space<vmem_shared>> -> memref<64x64xf32, #tpu.memory_space<vmem_shared>>
        tpu.wait_dma2 semaphore(%run_scoped3A : memref<!tpu.dma_semaphore, #tpu.memory_space<semaphore_mem>>) src(%arg15 : memref<64x64xf32, #tpu.memory_space<vmem>>) dst(%dma_wait3A_114 : memref<64x64xf32, #tpu.memory_space<vmem_shared>>)
        tpu.yield
      }) : () -> ()
      %scan3A_106 = arith.constant 0 : i32
      scf.yield %scan3A_106 : i32
    }
    %scan3A_44 = arith.constant 10 : i32
    %barrier3A_45 = arith.constant 0 : index
    tpu.barrier barrier_id(%barrier3A_45)
    %scan3A_46 = arith.constant 0 : i32
    %scan3A_47 = arith.constant 0 : i32
    %scan3A_48 = arith.constant 9 : i32
    %scan3A_49 = arith.addi %scan3A_47, %scan3A_48 : i32
    %scan3A_50 = arith.constant 1 : i32
    %scan3A_51 = scf.for %scan3A_94 = %scan3A_47 to %scan3A_49 step %scan3A_50 iter_args(%scan3A_95 = %scan3A_46) -> (i32)  : i32 {
      %dma_start3A_96 = arith.constant 0 : i32
      %dma_start3A_97 = arith.constant 0 : i32
      %dma_start3A_98 = tpu.memref_slice %arg8[%dma_start3A_96, %dma_start3A_97] : memref<160x128xi32, #tpu.memory_space<vmem>> -> memref<1x128xi32, #tpu.memory_space<vmem>>
      %dma_start3A_99 = tpu.memref_squeeze %dma_start3A_98 : memref<1x128xi32, #tpu.memory_space<vmem>> -> memref<128xi32, #tpu.memory_space<vmem>>
      %dma_start3A_100 = arith.constant 0 : i32
      %dma_start3A_101 = arith.constant 0 : i32
      %dma_start3A_102 = tpu.memref_slice %arg6[%dma_start3A_100, %dma_start3A_101] : memref<20480x64xf32, #tpu.memory_space<hbm>> -> memref<20480x64xf32, #tpu.memory_space<hbm>>
      tpu.enqueue_indirect_dma source(%dma_start3A_102 : memref<20480x64xf32, #tpu.memory_space<hbm>>) target(%arg11 : memref<128x64xf32, #tpu.memory_space<vmem>>) offsets(%dma_start3A_99 : memref<128xi32, #tpu.memory_space<vmem>>) semaphore(%arg16 : memref<!tpu.dma_semaphore, #tpu.memory_space<semaphore_mem>>)
      %dma_start3A_103 = arith.constant 1 : i32
      %dma_start3A_104 = arith.constant 0 : i32
      %dma_start3A_105 = tpu.memref_slice %arg8[%dma_start3A_103, %dma_start3A_104] : memref<160x128xi32, #tpu.memory_space<vmem>> -> memref<1x128xi32, #tpu.memory_space<vmem>>
      %dma_start3A_106 = tpu.memref_squeeze %dma_start3A_105 : memref<1x128xi32, #tpu.memory_space<vmem>> -> memref<128xi32, #tpu.memory_space<vmem>>
      %dma_start3A_107 = arith.constant 0 : i32
      %dma_start3A_108 = arith.constant 0 : i32
      %dma_start3A_109 = tpu.memref_slice %arg6[%dma_start3A_107, %dma_start3A_108] : memref<20480x64xf32, #tpu.memory_space<hbm>> -> memref<20480x64xf32, #tpu.memory_space<hbm>>
      tpu.enqueue_indirect_dma source(%dma_start3A_109 : memref<20480x64xf32, #tpu.memory_space<hbm>>) target(%arg12 : memref<128x64xf32, #tpu.memory_space<vmem>>) offsets(%dma_start3A_106 : memref<128xi32, #tpu.memory_space<vmem>>) semaphore(%arg17 : memref<!tpu.dma_semaphore, #tpu.memory_space<semaphore_mem>>)
      %scan3A_110 = arith.constant 0 : i32
      %scan3A_111 = arith.constant 0 : i32
      %scan3A_112 = arith.constant 40 : i32
      %scan3A_113 = arith.addi %scan3A_111, %scan3A_112 : i32
      %scan3A_114 = arith.constant 1 : i32
      %scan3A_115 = scf.for %scan3A_141 = %scan3A_111 to %scan3A_113 step %scan3A_114 iter_args(%scan3A_142 = %scan3A_110) -> (i32)  : i32 {
        %mul3A_143 = arith.constant 4 : i32
        %mul3A_144 = arith.muli %mul3A_143, %scan3A_141 : i32
        %add3A = arith.constant 0 : i32
        %add3A_145 = arith.addi %mul3A_144, %add3A : i32
        %dma_wait3A_146 = arith.constant 0 : i32
        %dma_wait3A_147 = tpu.memref_slice %arg8[%add3A_145, %dma_wait3A_146] : memref<160x128xi32, #tpu.memory_space<vmem>> -> memref<1x128xi32, #tpu.memory_space<vmem>>
        %dma_wait3A_148 = tpu.memref_squeeze %dma_wait3A_147 : memref<1x128xi32, #tpu.memory_space<vmem>> -> memref<128xi32, #tpu.memory_space<vmem>>
        %dma_wait3A_149 = arith.constant 0 : i32
        %dma_wait3A_150 = arith.constant 0 : i32
        %dma_wait3A_151 = tpu.memref_slice %arg6[%dma_wait3A_149, %dma_wait3A_150] : memref<20480x64xf32, #tpu.memory_space<hbm>> -> memref<20480x64xf32, #tpu.memory_space<hbm>>
        tpu.wait_indirect_dma semaphore(%arg16 : memref<!tpu.dma_semaphore, #tpu.memory_space<semaphore_mem>>) src(%dma_wait3A_151 : memref<20480x64xf32, #tpu.memory_space<hbm>>) dst(%arg11 : memref<128x64xf32, #tpu.memory_space<vmem>>)
        %dma_start3A_152 = arith.constant 0 : i32
        %dma_start3A_153 = tpu.memref_slice %arg9[%add3A_145, %dma_start3A_152] : memref<160x128xi32, #tpu.memory_space<vmem>> -> memref<1x128xi32, #tpu.memory_space<vmem>>
        %dma_start3A_154 = tpu.memref_squeeze %dma_start3A_153 : memref<1x128xi32, #tpu.memory_space<vmem>> -> memref<128xi32, #tpu.memory_space<vmem>>
        %dma_start3A_155 = arith.constant 0 : i32
        %dma_start3A_156 = arith.constant 0 : i32
        %dma_start3A_157 = tpu.memref_slice %arg7[%dma_start3A_155, %dma_start3A_156] : memref<10240x64xf32, #tpu.memory_space<vmem_shared>> -> memref<10240x64xf32, #tpu.memory_space<vmem_shared>>
        tpu.enqueue_indirect_dma source(%arg11 : memref<128x64xf32, #tpu.memory_space<vmem>>) target(%dma_start3A_157 : memref<10240x64xf32, #tpu.memory_space<vmem_shared>>) offsets(%dma_start3A_154 : memref<128xi32, #tpu.memory_space<vmem>>) semaphore(%arg20 : memref<!tpu.dma_semaphore, #tpu.memory_space<semaphore_mem>>) {add = true}
        %gt3A = arith.constant 0 : i32
        %gt3A_158 = arith.cmpi sgt, %scan3A_141, %gt3A : i32
        %convert_element_type3A = arith.extui %gt3A_158 : i1 to i32
        %cond3A = arith.constant 0 : i32
        %cond3A_159 = arith.cmpi ne, %convert_element_type3A, %cond3A : i32
        scf.if %cond3A_159 {
          %sub3A_258 = arith.constant 2 : i32
          %sub3A_259 = arith.subi %add3A_145, %sub3A_258 : i32
          %dma_wait3A_260 = arith.constant 0 : i32
          %dma_wait3A_261 = tpu.memref_slice %arg9[%sub3A_259, %dma_wait3A_260] : memref<160x128xi32, #tpu.memory_space<vmem>> -> memref<1x128xi32, #tpu.memory_space<vmem>>
          %dma_wait3A_262 = tpu.memref_squeeze %dma_wait3A_261 : memref<1x128xi32, #tpu.memory_space<vmem>> -> memref<128xi32, #tpu.memory_space<vmem>>
          %dma_wait3A_263 = arith.constant 0 : i32
          %dma_wait3A_264 = arith.constant 0 : i32
          %dma_wait3A_265 = tpu.memref_slice %arg7[%dma_wait3A_263, %dma_wait3A_264] : memref<10240x64xf32, #tpu.memory_space<vmem_shared>> -> memref<10240x64xf32, #tpu.memory_space<vmem_shared>>
          tpu.wait_indirect_dma semaphore(%arg22 : memref<!tpu.dma_semaphore, #tpu.memory_space<semaphore_mem>>) src(%arg13 : memref<128x64xf32, #tpu.memory_space<vmem>>) dst(%dma_wait3A_265 : memref<10240x64xf32, #tpu.memory_space<vmem_shared>>)
        } else {
        }
        %add3A_160 = arith.constant 2 : i32
        %add3A_161 = arith.addi %add3A_145, %add3A_160 : i32
        %dma_start3A_162 = arith.constant 0 : i32
        %dma_start3A_163 = tpu.memref_slice %arg8[%add3A_161, %dma_start3A_162] : memref<160x128xi32, #tpu.memory_space<vmem>> -> memref<1x128xi32, #tpu.memory_space<vmem>>
        %dma_start3A_164 = tpu.memref_squeeze %dma_start3A_163 : memref<1x128xi32, #tpu.memory_space<vmem>> -> memref<128xi32, #tpu.memory_space<vmem>>
        %dma_start3A_165 = arith.constant 0 : i32
        %dma_start3A_166 = arith.constant 0 : i32
        %dma_start3A_167 = tpu.memref_slice %arg6[%dma_start3A_165, %dma_start3A_166] : memref<20480x64xf32, #tpu.memory_space<hbm>> -> memref<20480x64xf32, #tpu.memory_space<hbm>>
        tpu.enqueue_indirect_dma source(%dma_start3A_167 : memref<20480x64xf32, #tpu.memory_space<hbm>>) target(%arg13 : memref<128x64xf32, #tpu.memory_space<vmem>>) offsets(%dma_start3A_164 : memref<128xi32, #tpu.memory_space<vmem>>) semaphore(%arg18 : memref<!tpu.dma_semaphore, #tpu.memory_space<semaphore_mem>>)
        %mul3A_168 = arith.constant 4 : i32
        %mul3A_169 = arith.muli %mul3A_168, %scan3A_141 : i32
        %add3A_170 = arith.constant 1 : i32
        %add3A_171 = arith.addi %mul3A_169, %add3A_170 : i32
        %dma_wait3A_172 = arith.constant 0 : i32
        %dma_wait3A_173 = tpu.memref_slice %arg8[%add3A_171, %dma_wait3A_172] : memref<160x128xi32, #tpu.memory_space<vmem>> -> memref<1x128xi32, #tpu.memory_space<vmem>>
        %dma_wait3A_174 = tpu.memref_squeeze %dma_wait3A_173 : memref<1x128xi32, #tpu.memory_space<vmem>> -> memref<128xi32, #tpu.memory_space<vmem>>
        %dma_wait3A_175 = arith.constant 0 : i32
        %dma_wait3A_176 = arith.constant 0 : i32
        %dma_wait3A_177 = tpu.memref_slice %arg6[%dma_wait3A_175, %dma_wait3A_176] : memref<20480x64xf32, #tpu.memory_space<hbm>> -> memref<20480x64xf32, #tpu.memory_space<hbm>>
        tpu.wait_indirect_dma semaphore(%arg17 : memref<!tpu.dma_semaphore, #tpu.memory_space<semaphore_mem>>) src(%dma_wait3A_177 : memref<20480x64xf32, #tpu.memory_space<hbm>>) dst(%arg12 : memref<128x64xf32, #tpu.memory_space<vmem>>)
        %dma_start3A_178 = arith.constant 0 : i32
        %dma_start3A_179 = tpu.memref_slice %arg9[%add3A_171, %dma_start3A_178] : memref<160x128xi32, #tpu.memory_space<vmem>> -> memref<1x128xi32, #tpu.memory_space<vmem>>
        %dma_start3A_180 = tpu.memref_squeeze %dma_start3A_179 : memref<1x128xi32, #tpu.memory_space<vmem>> -> memref<128xi32, #tpu.memory_space<vmem>>
        %dma_start3A_181 = arith.constant 0 : i32
        %dma_start3A_182 = arith.constant 0 : i32
        %dma_start3A_183 = tpu.memref_slice %arg7[%dma_start3A_181, %dma_start3A_182] : memref<10240x64xf32, #tpu.memory_space<vmem_shared>> -> memref<10240x64xf32, #tpu.memory_space<vmem_shared>>
        tpu.enqueue_indirect_dma source(%arg12 : memref<128x64xf32, #tpu.memory_space<vmem>>) target(%dma_start3A_183 : memref<10240x64xf32, #tpu.memory_space<vmem_shared>>) offsets(%dma_start3A_180 : memref<128xi32, #tpu.memory_space<vmem>>) semaphore(%arg21 : memref<!tpu.dma_semaphore, #tpu.memory_space<semaphore_mem>>) {add = true}
        %gt3A_184 = arith.constant 0 : i32
        %gt3A_185 = arith.cmpi sgt, %scan3A_141, %gt3A_184 : i32
        %convert_element_type3A_186 = arith.extui %gt3A_185 : i1 to i32
        %cond3A_187 = arith.constant 0 : i32
        %cond3A_188 = arith.cmpi ne, %convert_element_type3A_186, %cond3A_187 : i32
        scf.if %cond3A_188 {
          %sub3A_258 = arith.constant 2 : i32
          %sub3A_259 = arith.subi %add3A_171, %sub3A_258 : i32
          %dma_wait3A_260 = arith.constant 0 : i32
          %dma_wait3A_261 = tpu.memref_slice %arg9[%sub3A_259, %dma_wait3A_260] : memref<160x128xi32, #tpu.memory_space<vmem>> -> memref<1x128xi32, #tpu.memory_space<vmem>>
          %dma_wait3A_262 = tpu.memref_squeeze %dma_wait3A_261 : memref<1x128xi32, #tpu.memory_space<vmem>> -> memref<128xi32, #tpu.memory_space<vmem>>
          %dma_wait3A_263 = arith.constant 0 : i32
          %dma_wait3A_264 = arith.constant 0 : i32
          %dma_wait3A_265 = tpu.memref_slice %arg7[%dma_wait3A_263, %dma_wait3A_264] : memref<10240x64xf32, #tpu.memory_space<vmem_shared>> -> memref<10240x64xf32, #tpu.memory_space<vmem_shared>>
          tpu.wait_indirect_dma semaphore(%arg23 : memref<!tpu.dma_semaphore, #tpu.memory_space<semaphore_mem>>) src(%arg14 : memref<128x64xf32, #tpu.memory_space<vmem>>) dst(%dma_wait3A_265 : memref<10240x64xf32, #tpu.memory_space<vmem_shared>>)
        } else {
        }
        %add3A_189 = arith.constant 2 : i32
        %add3A_190 = arith.addi %add3A_171, %add3A_189 : i32
        %dma_start3A_191 = arith.constant 0 : i32
        %dma_start3A_192 = tpu.memref_slice %arg8[%add3A_190, %dma_start3A_191] : memref<160x128xi32, #tpu.memory_space<vmem>> -> memref<1x128xi32, #tpu.memory_space<vmem>>
        %dma_start3A_193 = tpu.memref_squeeze %dma_start3A_192 : memref<1x128xi32, #tpu.memory_space<vmem>> -> memref<128xi32, #tpu.memory_space<vmem>>
        %dma_start3A_194 = arith.constant 0 : i32
        %dma_start3A_195 = arith.constant 0 : i32
        %dma_start3A_196 = tpu.memref_slice %arg6[%dma_start3A_194, %dma_start3A_195] : memref<20480x64xf32, #tpu.memory_space<hbm>> -> memref<20480x64xf32, #tpu.memory_space<hbm>>
        tpu.enqueue_indirect_dma source(%dma_start3A_196 : memref<20480x64xf32, #tpu.memory_space<hbm>>) target(%arg14 : memref<128x64xf32, #tpu.memory_space<vmem>>) offsets(%dma_start3A_193 : memref<128xi32, #tpu.memory_space<vmem>>) semaphore(%arg19 : memref<!tpu.dma_semaphore, #tpu.memory_space<semaphore_mem>>)
        %mul3A_197 = arith.constant 4 : i32
        %mul3A_198 = arith.muli %mul3A_197, %scan3A_141 : i32
        %add3A_199 = arith.constant 2 : i32
        %add3A_200 = arith.addi %mul3A_198, %add3A_199 : i32
        %dma_wait3A_201 = arith.constant 0 : i32
        %dma_wait3A_202 = tpu.memref_slice %arg8[%add3A_200, %dma_wait3A_201] : memref<160x128xi32, #tpu.memory_space<vmem>> -> memref<1x128xi32, #tpu.memory_space<vmem>>
        %dma_wait3A_203 = tpu.memref_squeeze %dma_wait3A_202 : memref<1x128xi32, #tpu.memory_space<vmem>> -> memref<128xi32, #tpu.memory_space<vmem>>
        %dma_wait3A_204 = arith.constant 0 : i32
        %dma_wait3A_205 = arith.constant 0 : i32
        %dma_wait3A_206 = tpu.memref_slice %arg6[%dma_wait3A_204, %dma_wait3A_205] : memref<20480x64xf32, #tpu.memory_space<hbm>> -> memref<20480x64xf32, #tpu.memory_space<hbm>>
        tpu.wait_indirect_dma semaphore(%arg18 : memref<!tpu.dma_semaphore, #tpu.memory_space<semaphore_mem>>) src(%dma_wait3A_206 : memref<20480x64xf32, #tpu.memory_space<hbm>>) dst(%arg13 : memref<128x64xf32, #tpu.memory_space<vmem>>)
        %dma_start3A_207 = arith.constant 0 : i32
        %dma_start3A_208 = tpu.memref_slice %arg9[%add3A_200, %dma_start3A_207] : memref<160x128xi32, #tpu.memory_space<vmem>> -> memref<1x128xi32, #tpu.memory_space<vmem>>
        %dma_start3A_209 = tpu.memref_squeeze %dma_start3A_208 : memref<1x128xi32, #tpu.memory_space<vmem>> -> memref<128xi32, #tpu.memory_space<vmem>>
        %dma_start3A_210 = arith.constant 0 : i32
        %dma_start3A_211 = arith.constant 0 : i32
        %dma_start3A_212 = tpu.memref_slice %arg7[%dma_start3A_210, %dma_start3A_211] : memref<10240x64xf32, #tpu.memory_space<vmem_shared>> -> memref<10240x64xf32, #tpu.memory_space<vmem_shared>>
        tpu.enqueue_indirect_dma source(%arg13 : memref<128x64xf32, #tpu.memory_space<vmem>>) target(%dma_start3A_212 : memref<10240x64xf32, #tpu.memory_space<vmem_shared>>) offsets(%dma_start3A_209 : memref<128xi32, #tpu.memory_space<vmem>>) semaphore(%arg22 : memref<!tpu.dma_semaphore, #tpu.memory_space<semaphore_mem>>) {add = true}
        %sub3A = arith.constant 2 : i32
        %sub3A_213 = arith.subi %add3A_200, %sub3A : i32
        %dma_wait3A_214 = arith.constant 0 : i32
        %dma_wait3A_215 = tpu.memref_slice %arg9[%sub3A_213, %dma_wait3A_214] : memref<160x128xi32, #tpu.memory_space<vmem>> -> memref<1x128xi32, #tpu.memory_space<vmem>>
        %dma_wait3A_216 = tpu.memref_squeeze %dma_wait3A_215 : memref<1x128xi32, #tpu.memory_space<vmem>> -> memref<128xi32, #tpu.memory_space<vmem>>
        %dma_wait3A_217 = arith.constant 0 : i32
        %dma_wait3A_218 = arith.constant 0 : i32
        %dma_wait3A_219 = tpu.memref_slice %arg7[%dma_wait3A_217, %dma_wait3A_218] : memref<10240x64xf32, #tpu.memory_space<vmem_shared>> -> memref<10240x64xf32, #tpu.memory_space<vmem_shared>>
        tpu.wait_indirect_dma semaphore(%arg20 : memref<!tpu.dma_semaphore, #tpu.memory_space<semaphore_mem>>) src(%arg11 : memref<128x64xf32, #tpu.memory_space<vmem>>) dst(%dma_wait3A_219 : memref<10240x64xf32, #tpu.memory_space<vmem_shared>>)
        %add3A_220 = arith.constant 2 : i32
        %add3A_221 = arith.addi %add3A_200, %add3A_220 : i32
        %lt3A = arith.constant 160 : i32
        %lt3A_222 = arith.cmpi slt, %add3A_221, %lt3A : i32
        %convert_element_type3A_223 = arith.extui %lt3A_222 : i1 to i32
        %cond3A_224 = arith.constant 0 : i32
        %cond3A_225 = arith.cmpi ne, %convert_element_type3A_223, %cond3A_224 : i32
        scf.if %cond3A_225 {
          %add3A_258 = arith.constant 2 : i32
          %add3A_259 = arith.addi %add3A_200, %add3A_258 : i32
          %dma_start3A_260 = arith.constant 0 : i32
          %dma_start3A_261 = tpu.memref_slice %arg8[%add3A_259, %dma_start3A_260] : memref<160x128xi32, #tpu.memory_space<vmem>> -> memref<1x128xi32, #tpu.memory_space<vmem>>
          %dma_start3A_262 = tpu.memref_squeeze %dma_start3A_261 : memref<1x128xi32, #tpu.memory_space<vmem>> -> memref<128xi32, #tpu.memory_space<vmem>>
          %dma_start3A_263 = arith.constant 0 : i32
          %dma_start3A_264 = arith.constant 0 : i32
          %dma_start3A_265 = tpu.memref_slice %arg6[%dma_start3A_263, %dma_start3A_264] : memref<20480x64xf32, #tpu.memory_space<hbm>> -> memref<20480x64xf32, #tpu.memory_space<hbm>>
          tpu.enqueue_indirect_dma source(%dma_start3A_265 : memref<20480x64xf32, #tpu.memory_space<hbm>>) target(%arg11 : memref<128x64xf32, #tpu.memory_space<vmem>>) offsets(%dma_start3A_262 : memref<128xi32, #tpu.memory_space<vmem>>) semaphore(%arg16 : memref<!tpu.dma_semaphore, #tpu.memory_space<semaphore_mem>>)
        } else {
        }
        %mul3A_226 = arith.constant 4 : i32
        %mul3A_227 = arith.muli %mul3A_226, %scan3A_141 : i32
        %add3A_228 = arith.constant 3 : i32
        %add3A_229 = arith.addi %mul3A_227, %add3A_228 : i32
        %dma_wait3A_230 = arith.constant 0 : i32
        %dma_wait3A_231 = tpu.memref_slice %arg8[%add3A_229, %dma_wait3A_230] : memref<160x128xi32, #tpu.memory_space<vmem>> -> memref<1x128xi32, #tpu.memory_space<vmem>>
        %dma_wait3A_232 = tpu.memref_squeeze %dma_wait3A_231 : memref<1x128xi32, #tpu.memory_space<vmem>> -> memref<128xi32, #tpu.memory_space<vmem>>
        %dma_wait3A_233 = arith.constant 0 : i32
        %dma_wait3A_234 = arith.constant 0 : i32
        %dma_wait3A_235 = tpu.memref_slice %arg6[%dma_wait3A_233, %dma_wait3A_234] : memref<20480x64xf32, #tpu.memory_space<hbm>> -> memref<20480x64xf32, #tpu.memory_space<hbm>>
        tpu.wait_indirect_dma semaphore(%arg19 : memref<!tpu.dma_semaphore, #tpu.memory_space<semaphore_mem>>) src(%dma_wait3A_235 : memref<20480x64xf32, #tpu.memory_space<hbm>>) dst(%arg14 : memref<128x64xf32, #tpu.memory_space<vmem>>)
        %dma_start3A_236 = arith.constant 0 : i32
        %dma_start3A_237 = tpu.memref_slice %arg9[%add3A_229, %dma_start3A_236] : memref<160x128xi32, #tpu.memory_space<vmem>> -> memref<1x128xi32, #tpu.memory_space<vmem>>
        %dma_start3A_238 = tpu.memref_squeeze %dma_start3A_237 : memref<1x128xi32, #tpu.memory_space<vmem>> -> memref<128xi32, #tpu.memory_space<vmem>>
        %dma_start3A_239 = arith.constant 0 : i32
        %dma_start3A_240 = arith.constant 0 : i32
        %dma_start3A_241 = tpu.memref_slice %arg7[%dma_start3A_239, %dma_start3A_240] : memref<10240x64xf32, #tpu.memory_space<vmem_shared>> -> memref<10240x64xf32, #tpu.memory_space<vmem_shared>>
        tpu.enqueue_indirect_dma source(%arg14 : memref<128x64xf32, #tpu.memory_space<vmem>>) target(%dma_start3A_241 : memref<10240x64xf32, #tpu.memory_space<vmem_shared>>) offsets(%dma_start3A_238 : memref<128xi32, #tpu.memory_space<vmem>>) semaphore(%arg23 : memref<!tpu.dma_semaphore, #tpu.memory_space<semaphore_mem>>) {add = true}
        %sub3A_242 = arith.constant 2 : i32
        %sub3A_243 = arith.subi %add3A_229, %sub3A_242 : i32
        %dma_wait3A_244 = arith.constant 0 : i32
        %dma_wait3A_245 = tpu.memref_slice %arg9[%sub3A_243, %dma_wait3A_244] : memref<160x128xi32, #tpu.memory_space<vmem>> -> memref<1x128xi32, #tpu.memory_space<vmem>>
        %dma_wait3A_246 = tpu.memref_squeeze %dma_wait3A_245 : memref<1x128xi32, #tpu.memory_space<vmem>> -> memref<128xi32, #tpu.memory_space<vmem>>
        %dma_wait3A_247 = arith.constant 0 : i32
        %dma_wait3A_248 = arith.constant 0 : i32
        %dma_wait3A_249 = tpu.memref_slice %arg7[%dma_wait3A_247, %dma_wait3A_248] : memref<10240x64xf32, #tpu.memory_space<vmem_shared>> -> memref<10240x64xf32, #tpu.memory_space<vmem_shared>>
        tpu.wait_indirect_dma semaphore(%arg21 : memref<!tpu.dma_semaphore, #tpu.memory_space<semaphore_mem>>) src(%arg12 : memref<128x64xf32, #tpu.memory_space<vmem>>) dst(%dma_wait3A_249 : memref<10240x64xf32, #tpu.memory_space<vmem_shared>>)
        %add3A_250 = arith.constant 2 : i32
        %add3A_251 = arith.addi %add3A_229, %add3A_250 : i32
        %lt3A_252 = arith.constant 160 : i32
        %lt3A_253 = arith.cmpi slt, %add3A_251, %lt3A_252 : i32
        %convert_element_type3A_254 = arith.extui %lt3A_253 : i1 to i32
        %cond3A_255 = arith.constant 0 : i32
        %cond3A_256 = arith.cmpi ne, %convert_element_type3A_254, %cond3A_255 : i32
        scf.if %cond3A_256 {
          %add3A_258 = arith.constant 2 : i32
          %add3A_259 = arith.addi %add3A_229, %add3A_258 : i32
          %dma_start3A_260 = arith.constant 0 : i32
          %dma_start3A_261 = tpu.memref_slice %arg8[%add3A_259, %dma_start3A_260] : memref<160x128xi32, #tpu.memory_space<vmem>> -> memref<1x128xi32, #tpu.memory_space<vmem>>
          %dma_start3A_262 = tpu.memref_squeeze %dma_start3A_261 : memref<1x128xi32, #tpu.memory_space<vmem>> -> memref<128xi32, #tpu.memory_space<vmem>>
          %dma_start3A_263 = arith.constant 0 : i32
          %dma_start3A_264 = arith.constant 0 : i32
          %dma_start3A_265 = tpu.memref_slice %arg6[%dma_start3A_263, %dma_start3A_264] : memref<20480x64xf32, #tpu.memory_space<hbm>> -> memref<20480x64xf32, #tpu.memory_space<hbm>>
          tpu.enqueue_indirect_dma source(%dma_start3A_265 : memref<20480x64xf32, #tpu.memory_space<hbm>>) target(%arg12 : memref<128x64xf32, #tpu.memory_space<vmem>>) offsets(%dma_start3A_262 : memref<128xi32, #tpu.memory_space<vmem>>) semaphore(%arg17 : memref<!tpu.dma_semaphore, #tpu.memory_space<semaphore_mem>>)
        } else {
        }
        %scan3A_257 = arith.constant 0 : i32
        scf.yield %scan3A_257 : i32
      }
      %scan3A_116 = arith.constant 40 : i32
      %dma_wait3A_117 = arith.constant 158 : i32
      %dma_wait3A_118 = arith.constant 0 : i32
      %dma_wait3A_119 = tpu.memref_slice %arg9[%dma_wait3A_117, %dma_wait3A_118] : memref<160x128xi32, #tpu.memory_space<vmem>> -> memref<1x128xi32, #tpu.memory_space<vmem>>
      %dma_wait3A_120 = tpu.memref_squeeze %dma_wait3A_119 : memref<1x128xi32, #tpu.memory_space<vmem>> -> memref<128xi32, #tpu.memory_space<vmem>>
      %dma_wait3A_121 = arith.constant 0 : i32
      %dma_wait3A_122 = arith.constant 0 : i32
      %dma_wait3A_123 = tpu.memref_slice %arg7[%dma_wait3A_121, %dma_wait3A_122] : memref<10240x64xf32, #tpu.memory_space<vmem_shared>> -> memref<10240x64xf32, #tpu.memory_space<vmem_shared>>
      tpu.wait_indirect_dma semaphore(%arg22 : memref<!tpu.dma_semaphore, #tpu.memory_space<semaphore_mem>>) src(%arg13 : memref<128x64xf32, #tpu.memory_space<vmem>>) dst(%dma_wait3A_123 : memref<10240x64xf32, #tpu.memory_space<vmem_shared>>)
      %dma_wait3A_124 = arith.constant 159 : i32
      %dma_wait3A_125 = arith.constant 0 : i32
      %dma_wait3A_126 = tpu.memref_slice %arg9[%dma_wait3A_124, %dma_wait3A_125] : memref<160x128xi32, #tpu.memory_space<vmem>> -> memref<1x128xi32, #tpu.memory_space<vmem>>
      %dma_wait3A_127 = tpu.memref_squeeze %dma_wait3A_126 : memref<1x128xi32, #tpu.memory_space<vmem>> -> memref<128xi32, #tpu.memory_space<vmem>>
      %dma_wait3A_128 = arith.constant 0 : i32
      %dma_wait3A_129 = arith.constant 0 : i32
      %dma_wait3A_130 = tpu.memref_slice %arg7[%dma_wait3A_128, %dma_wait3A_129] : memref<10240x64xf32, #tpu.memory_space<vmem_shared>> -> memref<10240x64xf32, #tpu.memory_space<vmem_shared>>
      tpu.wait_indirect_dma semaphore(%arg23 : memref<!tpu.dma_semaphore, #tpu.memory_space<semaphore_mem>>) src(%arg14 : memref<128x64xf32, #tpu.memory_space<vmem>>) dst(%dma_wait3A_130 : memref<10240x64xf32, #tpu.memory_space<vmem_shared>>)
      %barrier3A_131 = arith.constant 0 : index
      tpu.barrier barrier_id(%barrier3A_131)
      %scan3A_132 = arith.constant 0 : i32
      %scan3A_133 = arith.constant 0 : i32
      %scan3A_134 = arith.constant 10 : i32
      %scan3A_135 = arith.addi %scan3A_133, %scan3A_134 : i32
      %scan3A_136 = arith.constant 1 : i32
      %scan3A_137 = scf.for %scan3A_141 = %scan3A_133 to %scan3A_135 step %scan3A_136 iter_args(%scan3A_142 = %scan3A_132) -> (i32)  : i32 {
        %mul3A_143 = arith.constant 64 : i32
        %mul3A_144 = arith.muli %scan3A_141, %mul3A_143 : i32
        %add3A = arith.addi %mul3A_0, %mul3A_144 : i32
        "tpu.region"() ({
          %run_scoped3A = tpu.sem_alloc : memref<!tpu.dma_semaphore, #tpu.memory_space<semaphore_mem>>
          %dma_start3A_154 = arith.constant 0 : i32
          %dma_start3A_155 = arith.constant 0 : i32
          %dma_start3A_156 = tpu.memref_slice %arg11[%dma_start3A_154, %dma_start3A_155] : memref<128x64xf32, #tpu.memory_space<vmem>> -> memref<64x64xf32, #tpu.memory_space<vmem>>
          %dma_start3A_157 = arith.constant 0 : i32
          %dma_start3A_158 = tpu.memref_slice %arg7[%add3A, %dma_start3A_157] : memref<10240x64xf32, #tpu.memory_space<vmem_shared>> -> memref<64x64xf32, #tpu.memory_space<vmem_shared>>
          %dma_start3A_159 = arith.constant 0 : i32
          %dma_start3A_160 = arith.constant 0 : i32
          %dma_start3A_161 = tpu.memref_slice %arg11[%dma_start3A_159, %dma_start3A_160] : memref<128x64xf32, #tpu.memory_space<vmem>> -> memref<64x64xf32, #tpu.memory_space<vmem>>
          %dma_start3A_162 = arith.constant 0 : i32
          %dma_start3A_163 = tpu.memref_slice %arg7[%add3A, %dma_start3A_162] : memref<10240x64xf32, #tpu.memory_space<vmem_shared>> -> memref<64x64xf32, #tpu.memory_space<vmem_shared>>
          tpu.enqueue_dma source(%dma_start3A_163 : memref<64x64xf32, #tpu.memory_space<vmem_shared>>) target(%dma_start3A_161 : memref<64x64xf32, #tpu.memory_space<vmem>>) target_semaphore(%run_scoped3A : memref<!tpu.dma_semaphore, #tpu.memory_space<semaphore_mem>>)
          %dma_wait3A_164 = arith.constant 0 : i32
          %dma_wait3A_165 = arith.constant 0 : i32
          %dma_wait3A_166 = tpu.memref_slice %arg11[%dma_wait3A_164, %dma_wait3A_165] : memref<128x64xf32, #tpu.memory_space<vmem>> -> memref<64x64xf32, #tpu.memory_space<vmem>>
          %dma_wait3A_167 = arith.constant 0 : i32
          %dma_wait3A_168 = tpu.memref_slice %arg7[%add3A, %dma_wait3A_167] : memref<10240x64xf32, #tpu.memory_space<vmem_shared>> -> memref<64x64xf32, #tpu.memory_space<vmem_shared>>
          %dma_wait3A_169 = arith.constant 0 : i32
          %dma_wait3A_170 = arith.constant 0 : i32
          %dma_wait3A_171 = tpu.memref_slice %arg11[%dma_wait3A_169, %dma_wait3A_170] : memref<128x64xf32, #tpu.memory_space<vmem>> -> memref<64x64xf32, #tpu.memory_space<vmem>>
          %dma_wait3A_172 = arith.constant 0 : i32
          %dma_wait3A_173 = tpu.memref_slice %arg7[%add3A, %dma_wait3A_172] : memref<10240x64xf32, #tpu.memory_space<vmem_shared>> -> memref<64x64xf32, #tpu.memory_space<vmem_shared>>
          tpu.wait_dma2 semaphore(%run_scoped3A : memref<!tpu.dma_semaphore, #tpu.memory_space<semaphore_mem>>) src(%dma_wait3A_173 : memref<64x64xf32, #tpu.memory_space<vmem_shared>>) dst(%dma_wait3A_171 : memref<64x64xf32, #tpu.memory_space<vmem>>)
          tpu.yield
        }) : () -> ()
        "tpu.region"() ({
          %run_scoped3A = tpu.sem_alloc : memref<!tpu.dma_semaphore, #tpu.memory_space<semaphore_mem>>
          %dma_start3A_154 = arith.constant 0 : i32
          %dma_start3A_155 = arith.constant 0 : i32
          %dma_start3A_156 = tpu.memref_slice %arg12[%dma_start3A_154, %dma_start3A_155] : memref<128x64xf32, #tpu.memory_space<vmem>> -> memref<64x64xf32, #tpu.memory_space<vmem>>
          %dma_start3A_157 = arith.constant 0 : i32
          %dma_start3A_158 = arith.constant 0 : i32
          %dma_start3A_159 = tpu.memref_slice %arg2[%arg0, %dma_start3A_157, %dma_start3A_158] : memref<2x10240x64xf32, #tpu.memory_space<hbm>> -> memref<1x10240x64xf32, #tpu.memory_space<hbm>>
          %dma_start3A_160 = tpu.memref_squeeze %dma_start3A_159 : memref<1x10240x64xf32, #tpu.memory_space<hbm>> -> memref<10240x64xf32, #tpu.memory_space<hbm>>
          %dma_start3A_161 = arith.constant 0 : i32
          %dma_start3A_162 = tpu.memref_slice %dma_start3A_160[%add3A, %dma_start3A_161] : memref<10240x64xf32, #tpu.memory_space<hbm>> -> memref<64x64xf32, #tpu.memory_space<hbm>>
          %dma_start3A_163 = arith.constant 0 : i32
          %dma_start3A_164 = arith.constant 0 : i32
          %dma_start3A_165 = tpu.memref_slice %arg12[%dma_start3A_163, %dma_start3A_164] : memref<128x64xf32, #tpu.memory_space<vmem>> -> memref<64x64xf32, #tpu.memory_space<vmem>>
          %dma_start3A_166 = arith.constant 0 : i32
          %dma_start3A_167 = arith.constant 0 : i32
          %dma_start3A_168 = tpu.memref_slice %arg2[%arg0, %dma_start3A_166, %dma_start3A_167] : memref<2x10240x64xf32, #tpu.memory_space<hbm>> -> memref<1x10240x64xf32, #tpu.memory_space<hbm>>
          %dma_start3A_169 = tpu.memref_squeeze %dma_start3A_168 : memref<1x10240x64xf32, #tpu.memory_space<hbm>> -> memref<10240x64xf32, #tpu.memory_space<hbm>>
          %dma_start3A_170 = arith.constant 0 : i32
          %dma_start3A_171 = tpu.memref_slice %dma_start3A_169[%add3A, %dma_start3A_170] : memref<10240x64xf32, #tpu.memory_space<hbm>> -> memref<64x64xf32, #tpu.memory_space<hbm>>
          tpu.enqueue_dma source(%dma_start3A_171 : memref<64x64xf32, #tpu.memory_space<hbm>>) target(%dma_start3A_165 : memref<64x64xf32, #tpu.memory_space<vmem>>) target_semaphore(%run_scoped3A : memref<!tpu.dma_semaphore, #tpu.memory_space<semaphore_mem>>)
          %dma_wait3A_172 = arith.constant 0 : i32
          %dma_wait3A_173 = arith.constant 0 : i32
          %dma_wait3A_174 = tpu.memref_slice %arg12[%dma_wait3A_172, %dma_wait3A_173] : memref<128x64xf32, #tpu.memory_space<vmem>> -> memref<64x64xf32, #tpu.memory_space<vmem>>
          %dma_wait3A_175 = arith.constant 0 : i32
          %dma_wait3A_176 = arith.constant 0 : i32
          %dma_wait3A_177 = tpu.memref_slice %arg2[%arg0, %dma_wait3A_175, %dma_wait3A_176] : memref<2x10240x64xf32, #tpu.memory_space<hbm>> -> memref<1x10240x64xf32, #tpu.memory_space<hbm>>
          %dma_wait3A_178 = tpu.memref_squeeze %dma_wait3A_177 : memref<1x10240x64xf32, #tpu.memory_space<hbm>> -> memref<10240x64xf32, #tpu.memory_space<hbm>>
          %dma_wait3A_179 = arith.constant 0 : i32
          %dma_wait3A_180 = tpu.memref_slice %dma_wait3A_178[%add3A, %dma_wait3A_179] : memref<10240x64xf32, #tpu.memory_space<hbm>> -> memref<64x64xf32, #tpu.memory_space<hbm>>
          %dma_wait3A_181 = arith.constant 0 : i32
          %dma_wait3A_182 = arith.constant 0 : i32
          %dma_wait3A_183 = tpu.memref_slice %arg12[%dma_wait3A_181, %dma_wait3A_182] : memref<128x64xf32, #tpu.memory_space<vmem>> -> memref<64x64xf32, #tpu.memory_space<vmem>>
          %dma_wait3A_184 = arith.constant 0 : i32
          %dma_wait3A_185 = arith.constant 0 : i32
          %dma_wait3A_186 = tpu.memref_slice %arg2[%arg0, %dma_wait3A_184, %dma_wait3A_185] : memref<2x10240x64xf32, #tpu.memory_space<hbm>> -> memref<1x10240x64xf32, #tpu.memory_space<hbm>>
          %dma_wait3A_187 = tpu.memref_squeeze %dma_wait3A_186 : memref<1x10240x64xf32, #tpu.memory_space<hbm>> -> memref<10240x64xf32, #tpu.memory_space<hbm>>
          %dma_wait3A_188 = arith.constant 0 : i32
          %dma_wait3A_189 = tpu.memref_slice %dma_wait3A_187[%add3A, %dma_wait3A_188] : memref<10240x64xf32, #tpu.memory_space<hbm>> -> memref<64x64xf32, #tpu.memory_space<hbm>>
          tpu.wait_dma2 semaphore(%run_scoped3A : memref<!tpu.dma_semaphore, #tpu.memory_space<semaphore_mem>>) src(%dma_wait3A_189 : memref<64x64xf32, #tpu.memory_space<hbm>>) dst(%dma_wait3A_183 : memref<64x64xf32, #tpu.memory_space<vmem>>)
          tpu.yield
        }) : () -> ()
        %scan3A_145 = arith.constant 0 : i32
        %scan3A_146 = arith.constant 0 : i32
        %scan3A_147 = arith.constant 64 : i32
        %scan3A_148 = arith.addi %scan3A_146, %scan3A_147 : i32
        %scan3A_149 = arith.constant 1 : i32
        %scan3A_150 = scf.for %scan3A_154 = %scan3A_146 to %scan3A_148 step %scan3A_149 iter_args(%scan3A_155 = %scan3A_145) -> (i32)  : i32 {
          %mul3A_156 = arith.constant 64 : i32
          %mul3A_157 = arith.muli %scan3A_141, %mul3A_156 : i32
          %add3A_158 = arith.addi %mul3A_157, %scan3A_154 : i32
          %get3A = arith.index_cast %add3A_158 : i32 to index
          %get3A_159 = arith.constant 0 : index
          %get3A_160 = tpu.vector_load %arg10[%get3A, %get3A_159] {strides = array<i32>} : memref<640x16xf32, #tpu.memory_space<vmem>>, vector<1x16xf32>,
          %get3A_161 = vector.shape_cast %get3A_160 : vector<1x16xf32> to vector<16xf32>
          %mul3A_162 = arith.mulf %get3A_161, %get3A_161 : vector<16xf32>
          %mul3A_163 = arith.constant 0.899999976 : f32
          %mul3A_164 = vector.broadcast %mul3A_163 : f32 to vector<16xf32>
          %mul3A_165 = arith.mulf %mul3A_164, %mul3A_162 : vector<16xf32>
          %get3A_166 = arith.index_cast %scan3A_154 : i32 to index
          %get3A_167 = arith.constant 0 : index
          %get3A_168 = tpu.vector_load %arg11[%get3A_166, %get3A_167] {strides = array<i32>} : memref<128x64xf32, #tpu.memory_space<vmem>>, vector<1x16xf32>,
          %get3A_169 = vector.shape_cast %get3A_168 : vector<1x16xf32> to vector<16xf32>
          %get3A_170 = arith.index_cast %scan3A_154 : i32 to index
          %get3A_171 = arith.constant 0 : index
          %get3A_172 = tpu.vector_load %arg12[%get3A_170, %get3A_171] {strides = array<i32>} : memref<128x64xf32, #tpu.memory_space<vmem>>, vector<1x16xf32>,
          %get3A_173 = vector.shape_cast %get3A_172 : vector<1x16xf32> to vector<16xf32>
          %mul3A_174 = arith.mulf %get3A_161, %get3A_173 : vector<16xf32>
          %mul3A_175 = arith.constant 1.000000e-01 : f32
          %mul3A_176 = vector.broadcast %mul3A_175 : f32 to vector<16xf32>
          %mul3A_177 = arith.mulf %mul3A_176, %mul3A_174 : vector<16xf32>
          %mul3A_178 = arith.mulf %mul3A_165, %get3A_169 : vector<16xf32>
          %add3A_179 = arith.addf %mul3A_178, %mul3A_177 : vector<16xf32>
          %swap3A = arith.index_cast %scan3A_154 : i32 to index
          %swap3A_180 = arith.constant 0 : index
          %swap3A_181 = tpu.vector_load %arg11[%swap3A, %swap3A_180] {strides = array<i32>} : memref<128x64xf32, #tpu.memory_space<vmem>>, vector<1x16xf32>,
          %swap3A_182 = vector.shape_cast %swap3A_181 : vector<1x16xf32> to vector<16xf32>
          %swap3A_183 = vector.shape_cast %add3A_179 : vector<16xf32> to vector<1x16xf32>
          tpu.vector_store %arg11[%swap3A, %swap3A_180], %swap3A_183 {strides = array<i32>} : memref<128x64xf32, #tpu.memory_space<vmem>>, vector<1x16xf32>,
          %get3A_184 = arith.index_cast %scan3A_154 : i32 to index
          %get3A_185 = arith.constant 16 : index
          %get3A_186 = tpu.vector_load %arg11[%get3A_184, %get3A_185] {strides = array<i32>} : memref<128x64xf32, #tpu.memory_space<vmem>>, vector<1x16xf32>,
          %get3A_187 = vector.shape_cast %get3A_186 : vector<1x16xf32> to vector<16xf32>
          %get3A_188 = arith.index_cast %scan3A_154 : i32 to index
          %get3A_189 = arith.constant 16 : index
          %get3A_190 = tpu.vector_load %arg12[%get3A_188, %get3A_189] {strides = array<i32>} : memref<128x64xf32, #tpu.memory_space<vmem>>, vector<1x16xf32>,
          %get3A_191 = vector.shape_cast %get3A_190 : vector<1x16xf32> to vector<16xf32>
          %mul3A_192 = arith.mulf %get3A_161, %get3A_191 : vector<16xf32>
          %mul3A_193 = arith.constant 1.000000e-01 : f32
          %mul3A_194 = vector.broadcast %mul3A_193 : f32 to vector<16xf32>
          %mul3A_195 = arith.mulf %mul3A_194, %mul3A_192 : vector<16xf32>
          %mul3A_196 = arith.mulf %mul3A_165, %get3A_187 : vector<16xf32>
          %add3A_197 = arith.addf %mul3A_196, %mul3A_195 : vector<16xf32>
          %swap3A_198 = arith.index_cast %scan3A_154 : i32 to index
          %swap3A_199 = arith.constant 16 : index
          %swap3A_200 = tpu.vector_load %arg11[%swap3A_198, %swap3A_199] {strides = array<i32>} : memref<128x64xf32, #tpu.memory_space<vmem>>, vector<1x16xf32>,
          %swap3A_201 = vector.shape_cast %swap3A_200 : vector<1x16xf32> to vector<16xf32>
          %swap3A_202 = vector.shape_cast %add3A_197 : vector<16xf32> to vector<1x16xf32>
          tpu.vector_store %arg11[%swap3A_198, %swap3A_199], %swap3A_202 {strides = array<i32>} : memref<128x64xf32, #tpu.memory_space<vmem>>, vector<1x16xf32>,
          %get3A_203 = arith.index_cast %scan3A_154 : i32 to index
          %get3A_204 = arith.constant 32 : index
          %get3A_205 = tpu.vector_load %arg11[%get3A_203, %get3A_204] {strides = array<i32>} : memref<128x64xf32, #tpu.memory_space<vmem>>, vector<1x16xf32>,
          %get3A_206 = vector.shape_cast %get3A_205 : vector<1x16xf32> to vector<16xf32>
          %get3A_207 = arith.index_cast %scan3A_154 : i32 to index
          %get3A_208 = arith.constant 32 : index
          %get3A_209 = tpu.vector_load %arg12[%get3A_207, %get3A_208] {strides = array<i32>} : memref<128x64xf32, #tpu.memory_space<vmem>>, vector<1x16xf32>,
          %get3A_210 = vector.shape_cast %get3A_209 : vector<1x16xf32> to vector<16xf32>
          %mul3A_211 = arith.mulf %get3A_161, %get3A_210 : vector<16xf32>
          %mul3A_212 = arith.constant 1.000000e-01 : f32
          %mul3A_213 = vector.broadcast %mul3A_212 : f32 to vector<16xf32>
          %mul3A_214 = arith.mulf %mul3A_213, %mul3A_211 : vector<16xf32>
          %mul3A_215 = arith.mulf %mul3A_165, %get3A_206 : vector<16xf32>
          %add3A_216 = arith.addf %mul3A_215, %mul3A_214 : vector<16xf32>
          %swap3A_217 = arith.index_cast %scan3A_154 : i32 to index
          %swap3A_218 = arith.constant 32 : index
          %swap3A_219 = tpu.vector_load %arg11[%swap3A_217, %swap3A_218] {strides = array<i32>} : memref<128x64xf32, #tpu.memory_space<vmem>>, vector<1x16xf32>,
          %swap3A_220 = vector.shape_cast %swap3A_219 : vector<1x16xf32> to vector<16xf32>
          %swap3A_221 = vector.shape_cast %add3A_216 : vector<16xf32> to vector<1x16xf32>
          tpu.vector_store %arg11[%swap3A_217, %swap3A_218], %swap3A_221 {strides = array<i32>} : memref<128x64xf32, #tpu.memory_space<vmem>>, vector<1x16xf32>,
          %get3A_222 = arith.index_cast %scan3A_154 : i32 to index
          %get3A_223 = arith.constant 48 : index
          %get3A_224 = tpu.vector_load %arg11[%get3A_222, %get3A_223] {strides = array<i32>} : memref<128x64xf32, #tpu.memory_space<vmem>>, vector<1x16xf32>,
          %get3A_225 = vector.shape_cast %get3A_224 : vector<1x16xf32> to vector<16xf32>
          %get3A_226 = arith.index_cast %scan3A_154 : i32 to index
          %get3A_227 = arith.constant 48 : index
          %get3A_228 = tpu.vector_load %arg12[%get3A_226, %get3A_227] {strides = array<i32>} : memref<128x64xf32, #tpu.memory_space<vmem>>, vector<1x16xf32>,
          %get3A_229 = vector.shape_cast %get3A_228 : vector<1x16xf32> to vector<16xf32>
          %mul3A_230 = arith.mulf %get3A_161, %get3A_229 : vector<16xf32>
          %mul3A_231 = arith.constant 1.000000e-01 : f32
          %mul3A_232 = vector.broadcast %mul3A_231 : f32 to vector<16xf32>
          %mul3A_233 = arith.mulf %mul3A_232, %mul3A_230 : vector<16xf32>
          %mul3A_234 = arith.mulf %mul3A_165, %get3A_225 : vector<16xf32>
          %add3A_235 = arith.addf %mul3A_234, %mul3A_233 : vector<16xf32>
          %swap3A_236 = arith.index_cast %scan3A_154 : i32 to index
          %swap3A_237 = arith.constant 48 : index
          %swap3A_238 = tpu.vector_load %arg11[%swap3A_236, %swap3A_237] {strides = array<i32>} : memref<128x64xf32, #tpu.memory_space<vmem>>, vector<1x16xf32>,
          %swap3A_239 = vector.shape_cast %swap3A_238 : vector<1x16xf32> to vector<16xf32>
          %swap3A_240 = vector.shape_cast %add3A_235 : vector<16xf32> to vector<1x16xf32>
          tpu.vector_store %arg11[%swap3A_236, %swap3A_237], %swap3A_240 {strides = array<i32>} : memref<128x64xf32, #tpu.memory_space<vmem>>, vector<1x16xf32>,
          %scan3A_241 = arith.constant 0 : i32
          scf.yield %scan3A_241 : i32
        }
        %scan3A_151 = arith.constant 64 : i32
        %add3A_152 = arith.addi %mul3A_2, %add3A : i32
        "tpu.region"() ({
          %run_scoped3A = tpu.sem_alloc : memref<!tpu.dma_semaphore, #tpu.memory_space<semaphore_mem>>
          %dma_start3A_154 = arith.constant 0 : i32
          %dma_start3A_155 = arith.constant 0 : i32
          %dma_start3A_156 = tpu.memref_slice %arg11[%dma_start3A_154, %dma_start3A_155] : memref<128x64xf32, #tpu.memory_space<vmem>> -> memref<64x64xf32, #tpu.memory_space<vmem>>
          %dma_start3A_157 = arith.constant 0 : i32
          %dma_start3A_158 = tpu.memref_slice %arg6[%add3A_152, %dma_start3A_157] : memref<20480x64xf32, #tpu.memory_space<hbm>> -> memref<64x64xf32, #tpu.memory_space<hbm>>
          %dma_start3A_159 = arith.constant 0 : i32
          %dma_start3A_160 = tpu.memref_slice %arg6[%add3A_152, %dma_start3A_159] : memref<20480x64xf32, #tpu.memory_space<hbm>> -> memref<64x64xf32, #tpu.memory_space<hbm>>
          %dma_start3A_161 = arith.constant 0 : i32
          %dma_start3A_162 = arith.constant 0 : i32
          %dma_start3A_163 = tpu.memref_slice %arg11[%dma_start3A_161, %dma_start3A_162] : memref<128x64xf32, #tpu.memory_space<vmem>> -> memref<64x64xf32, #tpu.memory_space<vmem>>
          tpu.enqueue_dma source(%dma_start3A_163 : memref<64x64xf32, #tpu.memory_space<vmem>>) target(%dma_start3A_160 : memref<64x64xf32, #tpu.memory_space<hbm>>) target_semaphore(%run_scoped3A : memref<!tpu.dma_semaphore, #tpu.memory_space<semaphore_mem>>)
          %dma_wait3A_164 = arith.constant 0 : i32
          %dma_wait3A_165 = arith.constant 0 : i32
          %dma_wait3A_166 = tpu.memref_slice %arg11[%dma_wait3A_164, %dma_wait3A_165] : memref<128x64xf32, #tpu.memory_space<vmem>> -> memref<64x64xf32, #tpu.memory_space<vmem>>
          %dma_wait3A_167 = arith.constant 0 : i32
          %dma_wait3A_168 = tpu.memref_slice %arg6[%add3A_152, %dma_wait3A_167] : memref<20480x64xf32, #tpu.memory_space<hbm>> -> memref<64x64xf32, #tpu.memory_space<hbm>>
          %dma_wait3A_169 = arith.constant 0 : i32
          %dma_wait3A_170 = tpu.memref_slice %arg6[%add3A_152, %dma_wait3A_169] : memref<20480x64xf32, #tpu.memory_space<hbm>> -> memref<64x64xf32, #tpu.memory_space<hbm>>
          %dma_wait3A_171 = arith.constant 0 : i32
          %dma_wait3A_172 = arith.constant 0 : i32
          %dma_wait3A_173 = tpu.memref_slice %arg11[%dma_wait3A_171, %dma_wait3A_172] : memref<128x64xf32, #tpu.memory_space<vmem>> -> memref<64x64xf32, #tpu.memory_space<vmem>>
          tpu.wait_dma2 semaphore(%run_scoped3A : memref<!tpu.dma_semaphore, #tpu.memory_space<semaphore_mem>>) src(%dma_wait3A_173 : memref<64x64xf32, #tpu.memory_space<vmem>>) dst(%dma_wait3A_170 : memref<64x64xf32, #tpu.memory_space<hbm>>)
          tpu.yield
        }) : () -> ()
        "tpu.region"() ({
          %run_scoped3A = tpu.sem_alloc : memref<!tpu.dma_semaphore, #tpu.memory_space<semaphore_mem>>
          %dma_start3A_154 = arith.constant 0 : i32
          %dma_start3A_155 = tpu.memref_slice %arg7[%add3A, %dma_start3A_154] : memref<10240x64xf32, #tpu.memory_space<vmem_shared>> -> memref<64x64xf32, #tpu.memory_space<vmem_shared>>
          %dma_start3A_156 = arith.constant 0 : i32
          %dma_start3A_157 = tpu.memref_slice %arg7[%add3A, %dma_start3A_156] : memref<10240x64xf32, #tpu.memory_space<vmem_shared>> -> memref<64x64xf32, #tpu.memory_space<vmem_shared>>
          tpu.enqueue_dma source(%arg15 : memref<64x64xf32, #tpu.memory_space<vmem>>) target(%dma_start3A_157 : memref<64x64xf32, #tpu.memory_space<vmem_shared>>) target_semaphore(%run_scoped3A : memref<!tpu.dma_semaphore, #tpu.memory_space<semaphore_mem>>)
          %dma_wait3A_158 = arith.constant 0 : i32
          %dma_wait3A_159 = tpu.memref_slice %arg7[%add3A, %dma_wait3A_158] : memref<10240x64xf32, #tpu.memory_space<vmem_shared>> -> memref<64x64xf32, #tpu.memory_space<vmem_shared>>
          %dma_wait3A_160 = arith.constant 0 : i32
          %dma_wait3A_161 = tpu.memref_slice %arg7[%add3A, %dma_wait3A_160] : memref<10240x64xf32, #tpu.memory_space<vmem_shared>> -> memref<64x64xf32, #tpu.memory_space<vmem_shared>>
          tpu.wait_dma2 semaphore(%run_scoped3A : memref<!tpu.dma_semaphore, #tpu.memory_space<semaphore_mem>>) src(%arg15 : memref<64x64xf32, #tpu.memory_space<vmem>>) dst(%dma_wait3A_161 : memref<64x64xf32, #tpu.memory_space<vmem_shared>>)
          tpu.yield
        }) : () -> ()
        %scan3A_153 = arith.constant 0 : i32
        scf.yield %scan3A_153 : i32
      }
      %scan3A_138 = arith.constant 10 : i32
      %barrier3A_139 = arith.constant 0 : index
      tpu.barrier barrier_id(%barrier3A_139)
      %scan3A_140 = arith.constant 0 : i32
      scf.yield %scan3A_140 : i32
    }
    %scan3A_52 = arith.constant 9 : i32
    %dma_start3A = arith.constant 0 : i32
    %dma_start3A_53 = arith.constant 0 : i32
    %dma_start3A_54 = tpu.memref_slice %arg8[%dma_start3A, %dma_start3A_53] : memref<160x128xi32, #tpu.memory_space<vmem>> -> memref<1x128xi32, #tpu.memory_space<vmem>>
    %dma_start3A_55 = tpu.memref_squeeze %dma_start3A_54 : memref<1x128xi32, #tpu.memory_space<vmem>> -> memref<128xi32, #tpu.memory_space<vmem>>
    %dma_start3A_56 = arith.constant 0 : i32
    %dma_start3A_57 = arith.constant 0 : i32
    %dma_start3A_58 = tpu.memref_slice %arg6[%dma_start3A_56, %dma_start3A_57] : memref<20480x64xf32, #tpu.memory_space<hbm>> -> memref<20480x64xf32, #tpu.memory_space<hbm>>
    tpu.enqueue_indirect_dma source(%dma_start3A_58 : memref<20480x64xf32, #tpu.memory_space<hbm>>) target(%arg11 : memref<128x64xf32, #tpu.memory_space<vmem>>) offsets(%dma_start3A_55 : memref<128xi32, #tpu.memory_space<vmem>>) semaphore(%arg16 : memref<!tpu.dma_semaphore, #tpu.memory_space<semaphore_mem>>)
    %dma_start3A_59 = arith.constant 1 : i32
    %dma_start3A_60 = arith.constant 0 : i32
    %dma_start3A_61 = tpu.memref_slice %arg8[%dma_start3A_59, %dma_start3A_60] : memref<160x128xi32, #tpu.memory_space<vmem>> -> memref<1x128xi32, #tpu.memory_space<vmem>>
    %dma_start3A_62 = tpu.memref_squeeze %dma_start3A_61 : memref<1x128xi32, #tpu.memory_space<vmem>> -> memref<128xi32, #tpu.memory_space<vmem>>
    %dma_start3A_63 = arith.constant 0 : i32
    %dma_start3A_64 = arith.constant 0 : i32
    %dma_start3A_65 = tpu.memref_slice %arg6[%dma_start3A_63, %dma_start3A_64] : memref<20480x64xf32, #tpu.memory_space<hbm>> -> memref<20480x64xf32, #tpu.memory_space<hbm>>
    tpu.enqueue_indirect_dma source(%dma_start3A_65 : memref<20480x64xf32, #tpu.memory_space<hbm>>) target(%arg12 : memref<128x64xf32, #tpu.memory_space<vmem>>) offsets(%dma_start3A_62 : memref<128xi32, #tpu.memory_space<vmem>>) semaphore(%arg17 : memref<!tpu.dma_semaphore, #tpu.memory_space<semaphore_mem>>)
    %scan3A_66 = arith.constant 0 : i32
    %scan3A_67 = arith.constant 0 : i32
    %scan3A_68 = arith.constant 40 : i32
    %scan3A_69 = arith.addi %scan3A_67, %scan3A_68 : i32
    %scan3A_70 = arith.constant 1 : i32
    %scan3A_71 = scf.for %scan3A_94 = %scan3A_67 to %scan3A_69 step %scan3A_70 iter_args(%scan3A_95 = %scan3A_66) -> (i32)  : i32 {
      %mul3A_96 = arith.constant 4 : i32
      %mul3A_97 = arith.muli %mul3A_96, %scan3A_94 : i32
      %add3A = arith.constant 0 : i32
      %add3A_98 = arith.addi %mul3A_97, %add3A : i32
      %dma_wait3A_99 = arith.constant 0 : i32
      %dma_wait3A_100 = tpu.memref_slice %arg8[%add3A_98, %dma_wait3A_99] : memref<160x128xi32, #tpu.memory_space<vmem>> -> memref<1x128xi32, #tpu.memory_space<vmem>>
      %dma_wait3A_101 = tpu.memref_squeeze %dma_wait3A_100 : memref<1x128xi32, #tpu.memory_space<vmem>> -> memref<128xi32, #tpu.memory_space<vmem>>
      %dma_wait3A_102 = arith.constant 0 : i32
      %dma_wait3A_103 = arith.constant 0 : i32
      %dma_wait3A_104 = tpu.memref_slice %arg6[%dma_wait3A_102, %dma_wait3A_103] : memref<20480x64xf32, #tpu.memory_space<hbm>> -> memref<20480x64xf32, #tpu.memory_space<hbm>>
      tpu.wait_indirect_dma semaphore(%arg16 : memref<!tpu.dma_semaphore, #tpu.memory_space<semaphore_mem>>) src(%dma_wait3A_104 : memref<20480x64xf32, #tpu.memory_space<hbm>>) dst(%arg11 : memref<128x64xf32, #tpu.memory_space<vmem>>)
      %dma_start3A_105 = arith.constant 0 : i32
      %dma_start3A_106 = tpu.memref_slice %arg9[%add3A_98, %dma_start3A_105] : memref<160x128xi32, #tpu.memory_space<vmem>> -> memref<1x128xi32, #tpu.memory_space<vmem>>
      %dma_start3A_107 = tpu.memref_squeeze %dma_start3A_106 : memref<1x128xi32, #tpu.memory_space<vmem>> -> memref<128xi32, #tpu.memory_space<vmem>>
      %dma_start3A_108 = arith.constant 0 : i32
      %dma_start3A_109 = arith.constant 0 : i32
      %dma_start3A_110 = tpu.memref_slice %arg7[%dma_start3A_108, %dma_start3A_109] : memref<10240x64xf32, #tpu.memory_space<vmem_shared>> -> memref<10240x64xf32, #tpu.memory_space<vmem_shared>>
      tpu.enqueue_indirect_dma source(%arg11 : memref<128x64xf32, #tpu.memory_space<vmem>>) target(%dma_start3A_110 : memref<10240x64xf32, #tpu.memory_space<vmem_shared>>) offsets(%dma_start3A_107 : memref<128xi32, #tpu.memory_space<vmem>>) semaphore(%arg20 : memref<!tpu.dma_semaphore, #tpu.memory_space<semaphore_mem>>) {add = true}
      %gt3A = arith.constant 0 : i32
      %gt3A_111 = arith.cmpi sgt, %scan3A_94, %gt3A : i32
      %convert_element_type3A = arith.extui %gt3A_111 : i1 to i32
      %cond3A = arith.constant 0 : i32
      %cond3A_112 = arith.cmpi ne, %convert_element_type3A, %cond3A : i32
      scf.if %cond3A_112 {
        %sub3A_211 = arith.constant 2 : i32
        %sub3A_212 = arith.subi %add3A_98, %sub3A_211 : i32
        %dma_wait3A_213 = arith.constant 0 : i32
        %dma_wait3A_214 = tpu.memref_slice %arg9[%sub3A_212, %dma_wait3A_213] : memref<160x128xi32, #tpu.memory_space<vmem>> -> memref<1x128xi32, #tpu.memory_space<vmem>>
        %dma_wait3A_215 = tpu.memref_squeeze %dma_wait3A_214 : memref<1x128xi32, #tpu.memory_space<vmem>> -> memref<128xi32, #tpu.memory_space<vmem>>
        %dma_wait3A_216 = arith.constant 0 : i32
        %dma_wait3A_217 = arith.constant 0 : i32
        %dma_wait3A_218 = tpu.memref_slice %arg7[%dma_wait3A_216, %dma_wait3A_217] : memref<10240x64xf32, #tpu.memory_space<vmem_shared>> -> memref<10240x64xf32, #tpu.memory_space<vmem_shared>>
        tpu.wait_indirect_dma semaphore(%arg22 : memref<!tpu.dma_semaphore, #tpu.memory_space<semaphore_mem>>) src(%arg13 : memref<128x64xf32, #tpu.memory_space<vmem>>) dst(%dma_wait3A_218 : memref<10240x64xf32, #tpu.memory_space<vmem_shared>>)
      } else {
      }
      %add3A_113 = arith.constant 2 : i32
      %add3A_114 = arith.addi %add3A_98, %add3A_113 : i32
      %dma_start3A_115 = arith.constant 0 : i32
      %dma_start3A_116 = tpu.memref_slice %arg8[%add3A_114, %dma_start3A_115] : memref<160x128xi32, #tpu.memory_space<vmem>> -> memref<1x128xi32, #tpu.memory_space<vmem>>
      %dma_start3A_117 = tpu.memref_squeeze %dma_start3A_116 : memref<1x128xi32, #tpu.memory_space<vmem>> -> memref<128xi32, #tpu.memory_space<vmem>>
      %dma_start3A_118 = arith.constant 0 : i32
      %dma_start3A_119 = arith.constant 0 : i32
      %dma_start3A_120 = tpu.memref_slice %arg6[%dma_start3A_118, %dma_start3A_119] : memref<20480x64xf32, #tpu.memory_space<hbm>> -> memref<20480x64xf32, #tpu.memory_space<hbm>>
      tpu.enqueue_indirect_dma source(%dma_start3A_120 : memref<20480x64xf32, #tpu.memory_space<hbm>>) target(%arg13 : memref<128x64xf32, #tpu.memory_space<vmem>>) offsets(%dma_start3A_117 : memref<128xi32, #tpu.memory_space<vmem>>) semaphore(%arg18 : memref<!tpu.dma_semaphore, #tpu.memory_space<semaphore_mem>>)
      %mul3A_121 = arith.constant 4 : i32
      %mul3A_122 = arith.muli %mul3A_121, %scan3A_94 : i32
      %add3A_123 = arith.constant 1 : i32
      %add3A_124 = arith.addi %mul3A_122, %add3A_123 : i32
      %dma_wait3A_125 = arith.constant 0 : i32
      %dma_wait3A_126 = tpu.memref_slice %arg8[%add3A_124, %dma_wait3A_125] : memref<160x128xi32, #tpu.memory_space<vmem>> -> memref<1x128xi32, #tpu.memory_space<vmem>>
      %dma_wait3A_127 = tpu.memref_squeeze %dma_wait3A_126 : memref<1x128xi32, #tpu.memory_space<vmem>> -> memref<128xi32, #tpu.memory_space<vmem>>
      %dma_wait3A_128 = arith.constant 0 : i32
      %dma_wait3A_129 = arith.constant 0 : i32
      %dma_wait3A_130 = tpu.memref_slice %arg6[%dma_wait3A_128, %dma_wait3A_129] : memref<20480x64xf32, #tpu.memory_space<hbm>> -> memref<20480x64xf32, #tpu.memory_space<hbm>>
      tpu.wait_indirect_dma semaphore(%arg17 : memref<!tpu.dma_semaphore, #tpu.memory_space<semaphore_mem>>) src(%dma_wait3A_130 : memref<20480x64xf32, #tpu.memory_space<hbm>>) dst(%arg12 : memref<128x64xf32, #tpu.memory_space<vmem>>)
      %dma_start3A_131 = arith.constant 0 : i32
      %dma_start3A_132 = tpu.memref_slice %arg9[%add3A_124, %dma_start3A_131] : memref<160x128xi32, #tpu.memory_space<vmem>> -> memref<1x128xi32, #tpu.memory_space<vmem>>
      %dma_start3A_133 = tpu.memref_squeeze %dma_start3A_132 : memref<1x128xi32, #tpu.memory_space<vmem>> -> memref<128xi32, #tpu.memory_space<vmem>>
      %dma_start3A_134 = arith.constant 0 : i32
      %dma_start3A_135 = arith.constant 0 : i32
      %dma_start3A_136 = tpu.memref_slice %arg7[%dma_start3A_134, %dma_start3A_135] : memref<10240x64xf32, #tpu.memory_space<vmem_shared>> -> memref<10240x64xf32, #tpu.memory_space<vmem_shared>>
      tpu.enqueue_indirect_dma source(%arg12 : memref<128x64xf32, #tpu.memory_space<vmem>>) target(%dma_start3A_136 : memref<10240x64xf32, #tpu.memory_space<vmem_shared>>) offsets(%dma_start3A_133 : memref<128xi32, #tpu.memory_space<vmem>>) semaphore(%arg21 : memref<!tpu.dma_semaphore, #tpu.memory_space<semaphore_mem>>) {add = true}
      %gt3A_137 = arith.constant 0 : i32
      %gt3A_138 = arith.cmpi sgt, %scan3A_94, %gt3A_137 : i32
      %convert_element_type3A_139 = arith.extui %gt3A_138 : i1 to i32
      %cond3A_140 = arith.constant 0 : i32
      %cond3A_141 = arith.cmpi ne, %convert_element_type3A_139, %cond3A_140 : i32
      scf.if %cond3A_141 {
        %sub3A_211 = arith.constant 2 : i32
        %sub3A_212 = arith.subi %add3A_124, %sub3A_211 : i32
        %dma_wait3A_213 = arith.constant 0 : i32
        %dma_wait3A_214 = tpu.memref_slice %arg9[%sub3A_212, %dma_wait3A_213] : memref<160x128xi32, #tpu.memory_space<vmem>> -> memref<1x128xi32, #tpu.memory_space<vmem>>
        %dma_wait3A_215 = tpu.memref_squeeze %dma_wait3A_214 : memref<1x128xi32, #tpu.memory_space<vmem>> -> memref<128xi32, #tpu.memory_space<vmem>>
        %dma_wait3A_216 = arith.constant 0 : i32
        %dma_wait3A_217 = arith.constant 0 : i32
        %dma_wait3A_218 = tpu.memref_slice %arg7[%dma_wait3A_216, %dma_wait3A_217] : memref<10240x64xf32, #tpu.memory_space<vmem_shared>> -> memref<10240x64xf32, #tpu.memory_space<vmem_shared>>
        tpu.wait_indirect_dma semaphore(%arg23 : memref<!tpu.dma_semaphore, #tpu.memory_space<semaphore_mem>>) src(%arg14 : memref<128x64xf32, #tpu.memory_space<vmem>>) dst(%dma_wait3A_218 : memref<10240x64xf32, #tpu.memory_space<vmem_shared>>)
      } else {
      }
      %add3A_142 = arith.constant 2 : i32
      %add3A_143 = arith.addi %add3A_124, %add3A_142 : i32
      %dma_start3A_144 = arith.constant 0 : i32
      %dma_start3A_145 = tpu.memref_slice %arg8[%add3A_143, %dma_start3A_144] : memref<160x128xi32, #tpu.memory_space<vmem>> -> memref<1x128xi32, #tpu.memory_space<vmem>>
      %dma_start3A_146 = tpu.memref_squeeze %dma_start3A_145 : memref<1x128xi32, #tpu.memory_space<vmem>> -> memref<128xi32, #tpu.memory_space<vmem>>
      %dma_start3A_147 = arith.constant 0 : i32
      %dma_start3A_148 = arith.constant 0 : i32
      %dma_start3A_149 = tpu.memref_slice %arg6[%dma_start3A_147, %dma_start3A_148] : memref<20480x64xf32, #tpu.memory_space<hbm>> -> memref<20480x64xf32, #tpu.memory_space<hbm>>
      tpu.enqueue_indirect_dma source(%dma_start3A_149 : memref<20480x64xf32, #tpu.memory_space<hbm>>) target(%arg14 : memref<128x64xf32, #tpu.memory_space<vmem>>) offsets(%dma_start3A_146 : memref<128xi32, #tpu.memory_space<vmem>>) semaphore(%arg19 : memref<!tpu.dma_semaphore, #tpu.memory_space<semaphore_mem>>)
      %mul3A_150 = arith.constant 4 : i32
      %mul3A_151 = arith.muli %mul3A_150, %scan3A_94 : i32
      %add3A_152 = arith.constant 2 : i32
      %add3A_153 = arith.addi %mul3A_151, %add3A_152 : i32
      %dma_wait3A_154 = arith.constant 0 : i32
      %dma_wait3A_155 = tpu.memref_slice %arg8[%add3A_153, %dma_wait3A_154] : memref<160x128xi32, #tpu.memory_space<vmem>> -> memref<1x128xi32, #tpu.memory_space<vmem>>
      %dma_wait3A_156 = tpu.memref_squeeze %dma_wait3A_155 : memref<1x128xi32, #tpu.memory_space<vmem>> -> memref<128xi32, #tpu.memory_space<vmem>>
      %dma_wait3A_157 = arith.constant 0 : i32
      %dma_wait3A_158 = arith.constant 0 : i32
      %dma_wait3A_159 = tpu.memref_slice %arg6[%dma_wait3A_157, %dma_wait3A_158] : memref<20480x64xf32, #tpu.memory_space<hbm>> -> memref<20480x64xf32, #tpu.memory_space<hbm>>
      tpu.wait_indirect_dma semaphore(%arg18 : memref<!tpu.dma_semaphore, #tpu.memory_space<semaphore_mem>>) src(%dma_wait3A_159 : memref<20480x64xf32, #tpu.memory_space<hbm>>) dst(%arg13 : memref<128x64xf32, #tpu.memory_space<vmem>>)
      %dma_start3A_160 = arith.constant 0 : i32
      %dma_start3A_161 = tpu.memref_slice %arg9[%add3A_153, %dma_start3A_160] : memref<160x128xi32, #tpu.memory_space<vmem>> -> memref<1x128xi32, #tpu.memory_space<vmem>>
      %dma_start3A_162 = tpu.memref_squeeze %dma_start3A_161 : memref<1x128xi32, #tpu.memory_space<vmem>> -> memref<128xi32, #tpu.memory_space<vmem>>
      %dma_start3A_163 = arith.constant 0 : i32
      %dma_start3A_164 = arith.constant 0 : i32
      %dma_start3A_165 = tpu.memref_slice %arg7[%dma_start3A_163, %dma_start3A_164] : memref<10240x64xf32, #tpu.memory_space<vmem_shared>> -> memref<10240x64xf32, #tpu.memory_space<vmem_shared>>
      tpu.enqueue_indirect_dma source(%arg13 : memref<128x64xf32, #tpu.memory_space<vmem>>) target(%dma_start3A_165 : memref<10240x64xf32, #tpu.memory_space<vmem_shared>>) offsets(%dma_start3A_162 : memref<128xi32, #tpu.memory_space<vmem>>) semaphore(%arg22 : memref<!tpu.dma_semaphore, #tpu.memory_space<semaphore_mem>>) {add = true}
      %sub3A = arith.constant 2 : i32
      %sub3A_166 = arith.subi %add3A_153, %sub3A : i32
      %dma_wait3A_167 = arith.constant 0 : i32
      %dma_wait3A_168 = tpu.memref_slice %arg9[%sub3A_166, %dma_wait3A_167] : memref<160x128xi32, #tpu.memory_space<vmem>> -> memref<1x128xi32, #tpu.memory_space<vmem>>
      %dma_wait3A_169 = tpu.memref_squeeze %dma_wait3A_168 : memref<1x128xi32, #tpu.memory_space<vmem>> -> memref<128xi32, #tpu.memory_space<vmem>>
      %dma_wait3A_170 = arith.constant 0 : i32
      %dma_wait3A_171 = arith.constant 0 : i32
      %dma_wait3A_172 = tpu.memref_slice %arg7[%dma_wait3A_170, %dma_wait3A_171] : memref<10240x64xf32, #tpu.memory_space<vmem_shared>> -> memref<10240x64xf32, #tpu.memory_space<vmem_shared>>
      tpu.wait_indirect_dma semaphore(%arg20 : memref<!tpu.dma_semaphore, #tpu.memory_space<semaphore_mem>>) src(%arg11 : memref<128x64xf32, #tpu.memory_space<vmem>>) dst(%dma_wait3A_172 : memref<10240x64xf32, #tpu.memory_space<vmem_shared>>)
      %add3A_173 = arith.constant 2 : i32
      %add3A_174 = arith.addi %add3A_153, %add3A_173 : i32
      %lt3A = arith.constant 160 : i32
      %lt3A_175 = arith.cmpi slt, %add3A_174, %lt3A : i32
      %convert_element_type3A_176 = arith.extui %lt3A_175 : i1 to i32
      %cond3A_177 = arith.constant 0 : i32
      %cond3A_178 = arith.cmpi ne, %convert_element_type3A_176, %cond3A_177 : i32
      scf.if %cond3A_178 {
        %add3A_211 = arith.constant 2 : i32
        %add3A_212 = arith.addi %add3A_153, %add3A_211 : i32
        %dma_start3A_213 = arith.constant 0 : i32
        %dma_start3A_214 = tpu.memref_slice %arg8[%add3A_212, %dma_start3A_213] : memref<160x128xi32, #tpu.memory_space<vmem>> -> memref<1x128xi32, #tpu.memory_space<vmem>>
        %dma_start3A_215 = tpu.memref_squeeze %dma_start3A_214 : memref<1x128xi32, #tpu.memory_space<vmem>> -> memref<128xi32, #tpu.memory_space<vmem>>
        %dma_start3A_216 = arith.constant 0 : i32
        %dma_start3A_217 = arith.constant 0 : i32
        %dma_start3A_218 = tpu.memref_slice %arg6[%dma_start3A_216, %dma_start3A_217] : memref<20480x64xf32, #tpu.memory_space<hbm>> -> memref<20480x64xf32, #tpu.memory_space<hbm>>
        tpu.enqueue_indirect_dma source(%dma_start3A_218 : memref<20480x64xf32, #tpu.memory_space<hbm>>) target(%arg11 : memref<128x64xf32, #tpu.memory_space<vmem>>) offsets(%dma_start3A_215 : memref<128xi32, #tpu.memory_space<vmem>>) semaphore(%arg16 : memref<!tpu.dma_semaphore, #tpu.memory_space<semaphore_mem>>)
      } else {
      }
      %mul3A_179 = arith.constant 4 : i32
      %mul3A_180 = arith.muli %mul3A_179, %scan3A_94 : i32
      %add3A_181 = arith.constant 3 : i32
      %add3A_182 = arith.addi %mul3A_180, %add3A_181 : i32
      %dma_wait3A_183 = arith.constant 0 : i32
      %dma_wait3A_184 = tpu.memref_slice %arg8[%add3A_182, %dma_wait3A_183] : memref<160x128xi32, #tpu.memory_space<vmem>> -> memref<1x128xi32, #tpu.memory_space<vmem>>
      %dma_wait3A_185 = tpu.memref_squeeze %dma_wait3A_184 : memref<1x128xi32, #tpu.memory_space<vmem>> -> memref<128xi32, #tpu.memory_space<vmem>>
      %dma_wait3A_186 = arith.constant 0 : i32
      %dma_wait3A_187 = arith.constant 0 : i32
      %dma_wait3A_188 = tpu.memref_slice %arg6[%dma_wait3A_186, %dma_wait3A_187] : memref<20480x64xf32, #tpu.memory_space<hbm>> -> memref<20480x64xf32, #tpu.memory_space<hbm>>
      tpu.wait_indirect_dma semaphore(%arg19 : memref<!tpu.dma_semaphore, #tpu.memory_space<semaphore_mem>>) src(%dma_wait3A_188 : memref<20480x64xf32, #tpu.memory_space<hbm>>) dst(%arg14 : memref<128x64xf32, #tpu.memory_space<vmem>>)
      %dma_start3A_189 = arith.constant 0 : i32
      %dma_start3A_190 = tpu.memref_slice %arg9[%add3A_182, %dma_start3A_189] : memref<160x128xi32, #tpu.memory_space<vmem>> -> memref<1x128xi32, #tpu.memory_space<vmem>>
      %dma_start3A_191 = tpu.memref_squeeze %dma_start3A_190 : memref<1x128xi32, #tpu.memory_space<vmem>> -> memref<128xi32, #tpu.memory_space<vmem>>
      %dma_start3A_192 = arith.constant 0 : i32
      %dma_start3A_193 = arith.constant 0 : i32
      %dma_start3A_194 = tpu.memref_slice %arg7[%dma_start3A_192, %dma_start3A_193] : memref<10240x64xf32, #tpu.memory_space<vmem_shared>> -> memref<10240x64xf32, #tpu.memory_space<vmem_shared>>
      tpu.enqueue_indirect_dma source(%arg14 : memref<128x64xf32, #tpu.memory_space<vmem>>) target(%dma_start3A_194 : memref<10240x64xf32, #tpu.memory_space<vmem_shared>>) offsets(%dma_start3A_191 : memref<128xi32, #tpu.memory_space<vmem>>) semaphore(%arg23 : memref<!tpu.dma_semaphore, #tpu.memory_space<semaphore_mem>>) {add = true}
      %sub3A_195 = arith.constant 2 : i32
      %sub3A_196 = arith.subi %add3A_182, %sub3A_195 : i32
      %dma_wait3A_197 = arith.constant 0 : i32
      %dma_wait3A_198 = tpu.memref_slice %arg9[%sub3A_196, %dma_wait3A_197] : memref<160x128xi32, #tpu.memory_space<vmem>> -> memref<1x128xi32, #tpu.memory_space<vmem>>
      %dma_wait3A_199 = tpu.memref_squeeze %dma_wait3A_198 : memref<1x128xi32, #tpu.memory_space<vmem>> -> memref<128xi32, #tpu.memory_space<vmem>>
      %dma_wait3A_200 = arith.constant 0 : i32
      %dma_wait3A_201 = arith.constant 0 : i32
      %dma_wait3A_202 = tpu.memref_slice %arg7[%dma_wait3A_200, %dma_wait3A_201] : memref<10240x64xf32, #tpu.memory_space<vmem_shared>> -> memref<10240x64xf32, #tpu.memory_space<vmem_shared>>
      tpu.wait_indirect_dma semaphore(%arg21 : memref<!tpu.dma_semaphore, #tpu.memory_space<semaphore_mem>>) src(%arg12 : memref<128x64xf32, #tpu.memory_space<vmem>>) dst(%dma_wait3A_202 : memref<10240x64xf32, #tpu.memory_space<vmem_shared>>)
      %add3A_203 = arith.constant 2 : i32
      %add3A_204 = arith.addi %add3A_182, %add3A_203 : i32
      %lt3A_205 = arith.constant 160 : i32
      %lt3A_206 = arith.cmpi slt, %add3A_204, %lt3A_205 : i32
      %convert_element_type3A_207 = arith.extui %lt3A_206 : i1 to i32
      %cond3A_208 = arith.constant 0 : i32
      %cond3A_209 = arith.cmpi ne, %convert_element_type3A_207, %cond3A_208 : i32
      scf.if %cond3A_209 {
        %add3A_211 = arith.constant 2 : i32
        %add3A_212 = arith.addi %add3A_182, %add3A_211 : i32
        %dma_start3A_213 = arith.constant 0 : i32
        %dma_start3A_214 = tpu.memref_slice %arg8[%add3A_212, %dma_start3A_213] : memref<160x128xi32, #tpu.memory_space<vmem>> -> memref<1x128xi32, #tpu.memory_space<vmem>>
        %dma_start3A_215 = tpu.memref_squeeze %dma_start3A_214 : memref<1x128xi32, #tpu.memory_space<vmem>> -> memref<128xi32, #tpu.memory_space<vmem>>
        %dma_start3A_216 = arith.constant 0 : i32
        %dma_start3A_217 = arith.constant 0 : i32
        %dma_start3A_218 = tpu.memref_slice %arg6[%dma_start3A_216, %dma_start3A_217] : memref<20480x64xf32, #tpu.memory_space<hbm>> -> memref<20480x64xf32, #tpu.memory_space<hbm>>
        tpu.enqueue_indirect_dma source(%dma_start3A_218 : memref<20480x64xf32, #tpu.memory_space<hbm>>) target(%arg12 : memref<128x64xf32, #tpu.memory_space<vmem>>) offsets(%dma_start3A_215 : memref<128xi32, #tpu.memory_space<vmem>>) semaphore(%arg17 : memref<!tpu.dma_semaphore, #tpu.memory_space<semaphore_mem>>)
      } else {
      }
      %scan3A_210 = arith.constant 0 : i32
      scf.yield %scan3A_210 : i32
    }
    %scan3A_72 = arith.constant 40 : i32
    %dma_wait3A = arith.constant 158 : i32
    %dma_wait3A_73 = arith.constant 0 : i32
    %dma_wait3A_74 = tpu.memref_slice %arg9[%dma_wait3A, %dma_wait3A_73] : memref<160x128xi32, #tpu.memory_space<vmem>> -> memref<1x128xi32, #tpu.memory_space<vmem>>
    %dma_wait3A_75 = tpu.memref_squeeze %dma_wait3A_74 : memref<1x128xi32, #tpu.memory_space<vmem>> -> memref<128xi32, #tpu.memory_space<vmem>>
    %dma_wait3A_76 = arith.constant 0 : i32
    %dma_wait3A_77 = arith.constant 0 : i32
    %dma_wait3A_78 = tpu.memref_slice %arg7[%dma_wait3A_76, %dma_wait3A_77] : memref<10240x64xf32, #tpu.memory_space<vmem_shared>> -> memref<10240x64xf32, #tpu.memory_space<vmem_shared>>
    tpu.wait_indirect_dma semaphore(%arg22 : memref<!tpu.dma_semaphore, #tpu.memory_space<semaphore_mem>>) src(%arg13 : memref<128x64xf32, #tpu.memory_space<vmem>>) dst(%dma_wait3A_78 : memref<10240x64xf32, #tpu.memory_space<vmem_shared>>)
    %dma_wait3A_79 = arith.constant 159 : i32
    %dma_wait3A_80 = arith.constant 0 : i32
    %dma_wait3A_81 = tpu.memref_slice %arg9[%dma_wait3A_79, %dma_wait3A_80] : memref<160x128xi32, #tpu.memory_space<vmem>> -> memref<1x128xi32, #tpu.memory_space<vmem>>
    %dma_wait3A_82 = tpu.memref_squeeze %dma_wait3A_81 : memref<1x128xi32, #tpu.memory_space<vmem>> -> memref<128xi32, #tpu.memory_space<vmem>>
    %dma_wait3A_83 = arith.constant 0 : i32
    %dma_wait3A_84 = arith.constant 0 : i32
    %dma_wait3A_85 = tpu.memref_slice %arg7[%dma_wait3A_83, %dma_wait3A_84] : memref<10240x64xf32, #tpu.memory_space<vmem_shared>> -> memref<10240x64xf32, #tpu.memory_space<vmem_shared>>
    tpu.wait_indirect_dma semaphore(%arg23 : memref<!tpu.dma_semaphore, #tpu.memory_space<semaphore_mem>>) src(%arg14 : memref<128x64xf32, #tpu.memory_space<vmem>>) dst(%dma_wait3A_85 : memref<10240x64xf32, #tpu.memory_space<vmem_shared>>)
    %barrier3A_86 = arith.constant 0 : index
    tpu.barrier barrier_id(%barrier3A_86)
    %scan3A_87 = arith.constant 0 : i32
    %scan3A_88 = arith.constant 0 : i32
    %scan3A_89 = arith.constant 10 : i32
    %scan3A_90 = arith.addi %scan3A_88, %scan3A_89 : i32
    %scan3A_91 = arith.constant 1 : i32
    %scan3A_92 = scf.for %scan3A_94 = %scan3A_88 to %scan3A_90 step %scan3A_91 iter_args(%scan3A_95 = %scan3A_87) -> (i32)  : i32 {
      %mul3A_96 = arith.constant 64 : i32
      %mul3A_97 = arith.muli %scan3A_94, %mul3A_96 : i32
      %add3A = arith.addi %mul3A_0, %mul3A_97 : i32
      "tpu.region"() ({
        %run_scoped3A = tpu.sem_alloc : memref<!tpu.dma_semaphore, #tpu.memory_space<semaphore_mem>>
        %dma_start3A_106 = arith.constant 0 : i32
        %dma_start3A_107 = arith.constant 0 : i32
        %dma_start3A_108 = tpu.memref_slice %arg11[%dma_start3A_106, %dma_start3A_107] : memref<128x64xf32, #tpu.memory_space<vmem>> -> memref<64x64xf32, #tpu.memory_space<vmem>>
        %dma_start3A_109 = arith.constant 0 : i32
        %dma_start3A_110 = tpu.memref_slice %arg7[%add3A, %dma_start3A_109] : memref<10240x64xf32, #tpu.memory_space<vmem_shared>> -> memref<64x64xf32, #tpu.memory_space<vmem_shared>>
        %dma_start3A_111 = arith.constant 0 : i32
        %dma_start3A_112 = arith.constant 0 : i32
        %dma_start3A_113 = tpu.memref_slice %arg11[%dma_start3A_111, %dma_start3A_112] : memref<128x64xf32, #tpu.memory_space<vmem>> -> memref<64x64xf32, #tpu.memory_space<vmem>>
        %dma_start3A_114 = arith.constant 0 : i32
        %dma_start3A_115 = tpu.memref_slice %arg7[%add3A, %dma_start3A_114] : memref<10240x64xf32, #tpu.memory_space<vmem_shared>> -> memref<64x64xf32, #tpu.memory_space<vmem_shared>>
        tpu.enqueue_dma source(%dma_start3A_115 : memref<64x64xf32, #tpu.memory_space<vmem_shared>>) target(%dma_start3A_113 : memref<64x64xf32, #tpu.memory_space<vmem>>) target_semaphore(%run_scoped3A : memref<!tpu.dma_semaphore, #tpu.memory_space<semaphore_mem>>)
        %dma_wait3A_116 = arith.constant 0 : i32
        %dma_wait3A_117 = arith.constant 0 : i32
        %dma_wait3A_118 = tpu.memref_slice %arg11[%dma_wait3A_116, %dma_wait3A_117] : memref<128x64xf32, #tpu.memory_space<vmem>> -> memref<64x64xf32, #tpu.memory_space<vmem>>
        %dma_wait3A_119 = arith.constant 0 : i32
        %dma_wait3A_120 = tpu.memref_slice %arg7[%add3A, %dma_wait3A_119] : memref<10240x64xf32, #tpu.memory_space<vmem_shared>> -> memref<64x64xf32, #tpu.memory_space<vmem_shared>>
        %dma_wait3A_121 = arith.constant 0 : i32
        %dma_wait3A_122 = arith.constant 0 : i32
        %dma_wait3A_123 = tpu.memref_slice %arg11[%dma_wait3A_121, %dma_wait3A_122] : memref<128x64xf32, #tpu.memory_space<vmem>> -> memref<64x64xf32, #tpu.memory_space<vmem>>
        %dma_wait3A_124 = arith.constant 0 : i32
        %dma_wait3A_125 = tpu.memref_slice %arg7[%add3A, %dma_wait3A_124] : memref<10240x64xf32, #tpu.memory_space<vmem_shared>> -> memref<64x64xf32, #tpu.memory_space<vmem_shared>>
        tpu.wait_dma2 semaphore(%run_scoped3A : memref<!tpu.dma_semaphore, #tpu.memory_space<semaphore_mem>>) src(%dma_wait3A_125 : memref<64x64xf32, #tpu.memory_space<vmem_shared>>) dst(%dma_wait3A_123 : memref<64x64xf32, #tpu.memory_space<vmem>>)
        tpu.yield
      }) : () -> ()
      "tpu.region"() ({
        %run_scoped3A = tpu.sem_alloc : memref<!tpu.dma_semaphore, #tpu.memory_space<semaphore_mem>>
        %dma_start3A_106 = arith.constant 0 : i32
        %dma_start3A_107 = arith.constant 0 : i32
        %dma_start3A_108 = tpu.memref_slice %arg12[%dma_start3A_106, %dma_start3A_107] : memref<128x64xf32, #tpu.memory_space<vmem>> -> memref<64x64xf32, #tpu.memory_space<vmem>>
        %dma_start3A_109 = arith.constant 0 : i32
        %dma_start3A_110 = arith.constant 0 : i32
        %dma_start3A_111 = tpu.memref_slice %arg2[%arg0, %dma_start3A_109, %dma_start3A_110] : memref<2x10240x64xf32, #tpu.memory_space<hbm>> -> memref<1x10240x64xf32, #tpu.memory_space<hbm>>
        %dma_start3A_112 = tpu.memref_squeeze %dma_start3A_111 : memref<1x10240x64xf32, #tpu.memory_space<hbm>> -> memref<10240x64xf32, #tpu.memory_space<hbm>>
        %dma_start3A_113 = arith.constant 0 : i32
        %dma_start3A_114 = tpu.memref_slice %dma_start3A_112[%add3A, %dma_start3A_113] : memref<10240x64xf32, #tpu.memory_space<hbm>> -> memref<64x64xf32, #tpu.memory_space<hbm>>
        %dma_start3A_115 = arith.constant 0 : i32
        %dma_start3A_116 = arith.constant 0 : i32
        %dma_start3A_117 = tpu.memref_slice %arg12[%dma_start3A_115, %dma_start3A_116] : memref<128x64xf32, #tpu.memory_space<vmem>> -> memref<64x64xf32, #tpu.memory_space<vmem>>
        %dma_start3A_118 = arith.constant 0 : i32
        %dma_start3A_119 = arith.constant 0 : i32
        %dma_start3A_120 = tpu.memref_slice %arg2[%arg0, %dma_start3A_118, %dma_start3A_119] : memref<2x10240x64xf32, #tpu.memory_space<hbm>> -> memref<1x10240x64xf32, #tpu.memory_space<hbm>>
        %dma_start3A_121 = tpu.memref_squeeze %dma_start3A_120 : memref<1x10240x64xf32, #tpu.memory_space<hbm>> -> memref<10240x64xf32, #tpu.memory_space<hbm>>
        %dma_start3A_122 = arith.constant 0 : i32
        %dma_start3A_123 = tpu.memref_slice %dma_start3A_121[%add3A, %dma_start3A_122] : memref<10240x64xf32, #tpu.memory_space<hbm>> -> memref<64x64xf32, #tpu.memory_space<hbm>>
        tpu.enqueue_dma source(%dma_start3A_123 : memref<64x64xf32, #tpu.memory_space<hbm>>) target(%dma_start3A_117 : memref<64x64xf32, #tpu.memory_space<vmem>>) target_semaphore(%run_scoped3A : memref<!tpu.dma_semaphore, #tpu.memory_space<semaphore_mem>>)
        %dma_wait3A_124 = arith.constant 0 : i32
        %dma_wait3A_125 = arith.constant 0 : i32
        %dma_wait3A_126 = tpu.memref_slice %arg12[%dma_wait3A_124, %dma_wait3A_125] : memref<128x64xf32, #tpu.memory_space<vmem>> -> memref<64x64xf32, #tpu.memory_space<vmem>>
        %dma_wait3A_127 = arith.constant 0 : i32
        %dma_wait3A_128 = arith.constant 0 : i32
        %dma_wait3A_129 = tpu.memref_slice %arg2[%arg0, %dma_wait3A_127, %dma_wait3A_128] : memref<2x10240x64xf32, #tpu.memory_space<hbm>> -> memref<1x10240x64xf32, #tpu.memory_space<hbm>>
        %dma_wait3A_130 = tpu.memref_squeeze %dma_wait3A_129 : memref<1x10240x64xf32, #tpu.memory_space<hbm>> -> memref<10240x64xf32, #tpu.memory_space<hbm>>
        %dma_wait3A_131 = arith.constant 0 : i32
        %dma_wait3A_132 = tpu.memref_slice %dma_wait3A_130[%add3A, %dma_wait3A_131] : memref<10240x64xf32, #tpu.memory_space<hbm>> -> memref<64x64xf32, #tpu.memory_space<hbm>>
        %dma_wait3A_133 = arith.constant 0 : i32
        %dma_wait3A_134 = arith.constant 0 : i32
        %dma_wait3A_135 = tpu.memref_slice %arg12[%dma_wait3A_133, %dma_wait3A_134] : memref<128x64xf32, #tpu.memory_space<vmem>> -> memref<64x64xf32, #tpu.memory_space<vmem>>
        %dma_wait3A_136 = arith.constant 0 : i32
        %dma_wait3A_137 = arith.constant 0 : i32
        %dma_wait3A_138 = tpu.memref_slice %arg2[%arg0, %dma_wait3A_136, %dma_wait3A_137] : memref<2x10240x64xf32, #tpu.memory_space<hbm>> -> memref<1x10240x64xf32, #tpu.memory_space<hbm>>
        %dma_wait3A_139 = tpu.memref_squeeze %dma_wait3A_138 : memref<1x10240x64xf32, #tpu.memory_space<hbm>> -> memref<10240x64xf32, #tpu.memory_space<hbm>>
        %dma_wait3A_140 = arith.constant 0 : i32
        %dma_wait3A_141 = tpu.memref_slice %dma_wait3A_139[%add3A, %dma_wait3A_140] : memref<10240x64xf32, #tpu.memory_space<hbm>> -> memref<64x64xf32, #tpu.memory_space<hbm>>
        tpu.wait_dma2 semaphore(%run_scoped3A : memref<!tpu.dma_semaphore, #tpu.memory_space<semaphore_mem>>) src(%dma_wait3A_141 : memref<64x64xf32, #tpu.memory_space<hbm>>) dst(%dma_wait3A_135 : memref<64x64xf32, #tpu.memory_space<vmem>>)
        tpu.yield
      }) : () -> ()
      %scan3A_98 = arith.constant 0 : i32
      %scan3A_99 = arith.constant 0 : i32
      %scan3A_100 = arith.constant 64 : i32
      %scan3A_101 = arith.addi %scan3A_99, %scan3A_100 : i32
      %scan3A_102 = arith.constant 1 : i32
      %scan3A_103 = scf.for %scan3A_106 = %scan3A_99 to %scan3A_101 step %scan3A_102 iter_args(%scan3A_107 = %scan3A_98) -> (i32)  : i32 {
        %mul3A_108 = arith.constant 64 : i32
        %mul3A_109 = arith.muli %scan3A_94, %mul3A_108 : i32
        %add3A_110 = arith.addi %mul3A_109, %scan3A_106 : i32
        %get3A = arith.index_cast %add3A_110 : i32 to index
        %get3A_111 = arith.constant 0 : index
        %get3A_112 = tpu.vector_load %arg10[%get3A, %get3A_111] {strides = array<i32>} : memref<640x16xf32, #tpu.memory_space<vmem>>, vector<1x16xf32>,
        %get3A_113 = vector.shape_cast %get3A_112 : vector<1x16xf32> to vector<16xf32>
        %get3A_114 = arith.index_cast %scan3A_106 : i32 to index
        %get3A_115 = arith.constant 0 : index
        %get3A_116 = tpu.vector_load %arg11[%get3A_114, %get3A_115] {strides = array<i32>} : memref<128x64xf32, #tpu.memory_space<vmem>>, vector<1x16xf32>,
        %get3A_117 = vector.shape_cast %get3A_116 : vector<1x16xf32> to vector<16xf32>
        %get3A_118 = arith.index_cast %scan3A_106 : i32 to index
        %get3A_119 = arith.constant 0 : index
        %get3A_120 = tpu.vector_load %arg12[%get3A_118, %get3A_119] {strides = array<i32>} : memref<128x64xf32, #tpu.memory_space<vmem>>, vector<1x16xf32>,
        %get3A_121 = vector.shape_cast %get3A_120 : vector<1x16xf32> to vector<16xf32>
        %mul3A_122 = arith.mulf %get3A_113, %get3A_117 : vector<16xf32>
        %mul3A_123 = arith.constant 0.899999976 : f32
        %mul3A_124 = vector.broadcast %mul3A_123 : f32 to vector<16xf32>
        %mul3A_125 = arith.mulf %mul3A_124, %mul3A_122 : vector<16xf32>
        %mul3A_126 = arith.constant 1.000000e-01 : f32
        %mul3A_127 = vector.broadcast %mul3A_126 : f32 to vector<16xf32>
        %mul3A_128 = arith.mulf %mul3A_127, %get3A_121 : vector<16xf32>
        %add3A_129 = arith.addf %mul3A_125, %mul3A_128 : vector<16xf32>
        %swap3A = arith.index_cast %scan3A_106 : i32 to index
        %swap3A_130 = arith.constant 0 : index
        %swap3A_131 = tpu.vector_load %arg11[%swap3A, %swap3A_130] {strides = array<i32>} : memref<128x64xf32, #tpu.memory_space<vmem>>, vector<1x16xf32>,
        %swap3A_132 = vector.shape_cast %swap3A_131 : vector<1x16xf32> to vector<16xf32>
        %swap3A_133 = vector.shape_cast %add3A_129 : vector<16xf32> to vector<1x16xf32>
        tpu.vector_store %arg11[%swap3A, %swap3A_130], %swap3A_133 {strides = array<i32>} : memref<128x64xf32, #tpu.memory_space<vmem>>, vector<1x16xf32>,
        %get3A_134 = arith.index_cast %scan3A_106 : i32 to index
        %get3A_135 = arith.constant 16 : index
        %get3A_136 = tpu.vector_load %arg11[%get3A_134, %get3A_135] {strides = array<i32>} : memref<128x64xf32, #tpu.memory_space<vmem>>, vector<1x16xf32>,
        %get3A_137 = vector.shape_cast %get3A_136 : vector<1x16xf32> to vector<16xf32>
        %get3A_138 = arith.index_cast %scan3A_106 : i32 to index
        %get3A_139 = arith.constant 16 : index
        %get3A_140 = tpu.vector_load %arg12[%get3A_138, %get3A_139] {strides = array<i32>} : memref<128x64xf32, #tpu.memory_space<vmem>>, vector<1x16xf32>,
        %get3A_141 = vector.shape_cast %get3A_140 : vector<1x16xf32> to vector<16xf32>
        %mul3A_142 = arith.mulf %get3A_113, %get3A_137 : vector<16xf32>
        %mul3A_143 = arith.constant 0.899999976 : f32
        %mul3A_144 = vector.broadcast %mul3A_143 : f32 to vector<16xf32>
        %mul3A_145 = arith.mulf %mul3A_144, %mul3A_142 : vector<16xf32>
        %mul3A_146 = arith.constant 1.000000e-01 : f32
        %mul3A_147 = vector.broadcast %mul3A_146 : f32 to vector<16xf32>
        %mul3A_148 = arith.mulf %mul3A_147, %get3A_141 : vector<16xf32>
        %add3A_149 = arith.addf %mul3A_145, %mul3A_148 : vector<16xf32>
        %swap3A_150 = arith.index_cast %scan3A_106 : i32 to index
        %swap3A_151 = arith.constant 16 : index
        %swap3A_152 = tpu.vector_load %arg11[%swap3A_150, %swap3A_151] {strides = array<i32>} : memref<128x64xf32, #tpu.memory_space<vmem>>, vector<1x16xf32>,
        %swap3A_153 = vector.shape_cast %swap3A_152 : vector<1x16xf32> to vector<16xf32>
        %swap3A_154 = vector.shape_cast %add3A_149 : vector<16xf32> to vector<1x16xf32>
        tpu.vector_store %arg11[%swap3A_150, %swap3A_151], %swap3A_154 {strides = array<i32>} : memref<128x64xf32, #tpu.memory_space<vmem>>, vector<1x16xf32>,
        %get3A_155 = arith.index_cast %scan3A_106 : i32 to index
        %get3A_156 = arith.constant 32 : index
        %get3A_157 = tpu.vector_load %arg11[%get3A_155, %get3A_156] {strides = array<i32>} : memref<128x64xf32, #tpu.memory_space<vmem>>, vector<1x16xf32>,
        %get3A_158 = vector.shape_cast %get3A_157 : vector<1x16xf32> to vector<16xf32>
        %get3A_159 = arith.index_cast %scan3A_106 : i32 to index
        %get3A_160 = arith.constant 32 : index
        %get3A_161 = tpu.vector_load %arg12[%get3A_159, %get3A_160] {strides = array<i32>} : memref<128x64xf32, #tpu.memory_space<vmem>>, vector<1x16xf32>,
        %get3A_162 = vector.shape_cast %get3A_161 : vector<1x16xf32> to vector<16xf32>
        %mul3A_163 = arith.mulf %get3A_113, %get3A_158 : vector<16xf32>
        %mul3A_164 = arith.constant 0.899999976 : f32
        %mul3A_165 = vector.broadcast %mul3A_164 : f32 to vector<16xf32>
        %mul3A_166 = arith.mulf %mul3A_165, %mul3A_163 : vector<16xf32>
        %mul3A_167 = arith.constant 1.000000e-01 : f32
        %mul3A_168 = vector.broadcast %mul3A_167 : f32 to vector<16xf32>
        %mul3A_169 = arith.mulf %mul3A_168, %get3A_162 : vector<16xf32>
        %add3A_170 = arith.addf %mul3A_166, %mul3A_169 : vector<16xf32>
        %swap3A_171 = arith.index_cast %scan3A_106 : i32 to index
        %swap3A_172 = arith.constant 32 : index
        %swap3A_173 = tpu.vector_load %arg11[%swap3A_171, %swap3A_172] {strides = array<i32>} : memref<128x64xf32, #tpu.memory_space<vmem>>, vector<1x16xf32>,
        %swap3A_174 = vector.shape_cast %swap3A_173 : vector<1x16xf32> to vector<16xf32>
        %swap3A_175 = vector.shape_cast %add3A_170 : vector<16xf32> to vector<1x16xf32>
        tpu.vector_store %arg11[%swap3A_171, %swap3A_172], %swap3A_175 {strides = array<i32>} : memref<128x64xf32, #tpu.memory_space<vmem>>, vector<1x16xf32>,
        %get3A_176 = arith.index_cast %scan3A_106 : i32 to index
        %get3A_177 = arith.constant 48 : index
        %get3A_178 = tpu.vector_load %arg11[%get3A_176, %get3A_177] {strides = array<i32>} : memref<128x64xf32, #tpu.memory_space<vmem>>, vector<1x16xf32>,
        %get3A_179 = vector.shape_cast %get3A_178 : vector<1x16xf32> to vector<16xf32>
        %get3A_180 = arith.index_cast %scan3A_106 : i32 to index
        %get3A_181 = arith.constant 48 : index
        %get3A_182 = tpu.vector_load %arg12[%get3A_180, %get3A_181] {strides = array<i32>} : memref<128x64xf32, #tpu.memory_space<vmem>>, vector<1x16xf32>,
        %get3A_183 = vector.shape_cast %get3A_182 : vector<1x16xf32> to vector<16xf32>
        %mul3A_184 = arith.mulf %get3A_113, %get3A_179 : vector<16xf32>
        %mul3A_185 = arith.constant 0.899999976 : f32
        %mul3A_186 = vector.broadcast %mul3A_185 : f32 to vector<16xf32>
        %mul3A_187 = arith.mulf %mul3A_186, %mul3A_184 : vector<16xf32>
        %mul3A_188 = arith.constant 1.000000e-01 : f32
        %mul3A_189 = vector.broadcast %mul3A_188 : f32 to vector<16xf32>
        %mul3A_190 = arith.mulf %mul3A_189, %get3A_183 : vector<16xf32>
        %add3A_191 = arith.addf %mul3A_187, %mul3A_190 : vector<16xf32>
        %swap3A_192 = arith.index_cast %scan3A_106 : i32 to index
        %swap3A_193 = arith.constant 48 : index
        %swap3A_194 = tpu.vector_load %arg11[%swap3A_192, %swap3A_193] {strides = array<i32>} : memref<128x64xf32, #tpu.memory_space<vmem>>, vector<1x16xf32>,
        %swap3A_195 = vector.shape_cast %swap3A_194 : vector<1x16xf32> to vector<16xf32>
        %swap3A_196 = vector.shape_cast %add3A_191 : vector<16xf32> to vector<1x16xf32>
        tpu.vector_store %arg11[%swap3A_192, %swap3A_193], %swap3A_196 {strides = array<i32>} : memref<128x64xf32, #tpu.memory_space<vmem>>, vector<1x16xf32>,
        %scan3A_197 = arith.constant 0 : i32
        scf.yield %scan3A_197 : i32
      }
      %scan3A_104 = arith.constant 64 : i32
      "tpu.region"() ({
        %run_scoped3A = tpu.sem_alloc : memref<!tpu.dma_semaphore, #tpu.memory_space<semaphore_mem>>
        %dma_start3A_106 = arith.constant 0 : i32
        %dma_start3A_107 = arith.constant 0 : i32
        %dma_start3A_108 = tpu.memref_slice %arg11[%dma_start3A_106, %dma_start3A_107] : memref<128x64xf32, #tpu.memory_space<vmem>> -> memref<64x64xf32, #tpu.memory_space<vmem>>
        %dma_start3A_109 = arith.constant 0 : i32
        %dma_start3A_110 = arith.constant 0 : i32
        %dma_start3A_111 = tpu.memref_slice %arg5[%arg0, %dma_start3A_109, %dma_start3A_110] : memref<2x10240x64xf32, #tpu.memory_space<hbm>> -> memref<1x10240x64xf32, #tpu.memory_space<hbm>>
        %dma_start3A_112 = tpu.memref_squeeze %dma_start3A_111 : memref<1x10240x64xf32, #tpu.memory_space<hbm>> -> memref<10240x64xf32, #tpu.memory_space<hbm>>
        %dma_start3A_113 = arith.constant 0 : i32
        %dma_start3A_114 = tpu.memref_slice %dma_start3A_112[%add3A, %dma_start3A_113] : memref<10240x64xf32, #tpu.memory_space<hbm>> -> memref<64x64xf32, #tpu.memory_space<hbm>>
        %dma_start3A_115 = arith.constant 0 : i32
        %dma_start3A_116 = arith.constant 0 : i32
        %dma_start3A_117 = tpu.memref_slice %arg5[%arg0, %dma_start3A_115, %dma_start3A_116] : memref<2x10240x64xf32, #tpu.memory_space<hbm>> -> memref<1x10240x64xf32, #tpu.memory_space<hbm>>
        %dma_start3A_118 = tpu.memref_squeeze %dma_start3A_117 : memref<1x10240x64xf32, #tpu.memory_space<hbm>> -> memref<10240x64xf32, #tpu.memory_space<hbm>>
        %dma_start3A_119 = arith.constant 0 : i32
        %dma_start3A_120 = tpu.memref_slice %dma_start3A_118[%add3A, %dma_start3A_119] : memref<10240x64xf32, #tpu.memory_space<hbm>> -> memref<64x64xf32, #tpu.memory_space<hbm>>
        %dma_start3A_121 = arith.constant 0 : i32
        %dma_start3A_122 = arith.constant 0 : i32
        %dma_start3A_123 = tpu.memref_slice %arg11[%dma_start3A_121, %dma_start3A_122] : memref<128x64xf32, #tpu.memory_space<vmem>> -> memref<64x64xf32, #tpu.memory_space<vmem>>
        tpu.enqueue_dma source(%dma_start3A_123 : memref<64x64xf32, #tpu.memory_space<vmem>>) target(%dma_start3A_120 : memref<64x64xf32, #tpu.memory_space<hbm>>) target_semaphore(%run_scoped3A : memref<!tpu.dma_semaphore, #tpu.memory_space<semaphore_mem>>)
        %dma_wait3A_124 = arith.constant 0 : i32
        %dma_wait3A_125 = arith.constant 0 : i32
        %dma_wait3A_126 = tpu.memref_slice %arg11[%dma_wait3A_124, %dma_wait3A_125] : memref<128x64xf32, #tpu.memory_space<vmem>> -> memref<64x64xf32, #tpu.memory_space<vmem>>
        %dma_wait3A_127 = arith.constant 0 : i32
        %dma_wait3A_128 = arith.constant 0 : i32
        %dma_wait3A_129 = tpu.memref_slice %arg5[%arg0, %dma_wait3A_127, %dma_wait3A_128] : memref<2x10240x64xf32, #tpu.memory_space<hbm>> -> memref<1x10240x64xf32, #tpu.memory_space<hbm>>
        %dma_wait3A_130 = tpu.memref_squeeze %dma_wait3A_129 : memref<1x10240x64xf32, #tpu.memory_space<hbm>> -> memref<10240x64xf32, #tpu.memory_space<hbm>>
        %dma_wait3A_131 = arith.constant 0 : i32
        %dma_wait3A_132 = tpu.memref_slice %dma_wait3A_130[%add3A, %dma_wait3A_131] : memref<10240x64xf32, #tpu.memory_space<hbm>> -> memref<64x64xf32, #tpu.memory_space<hbm>>
        %dma_wait3A_133 = arith.constant 0 : i32
        %dma_wait3A_134 = arith.constant 0 : i32
        %dma_wait3A_135 = tpu.memref_slice %arg5[%arg0, %dma_wait3A_133, %dma_wait3A_134] : memref<2x10240x64xf32, #tpu.memory_space<hbm>> -> memref<1x10240x64xf32, #tpu.memory_space<hbm>>
        %dma_wait3A_136 = tpu.memref_squeeze %dma_wait3A_135 : memref<1x10240x64xf32, #tpu.memory_space<hbm>> -> memref<10240x64xf32, #tpu.memory_space<hbm>>
        %dma_wait3A_137 = arith.constant 0 : i32
        %dma_wait3A_138 = tpu.memref_slice %dma_wait3A_136[%add3A, %dma_wait3A_137] : memref<10240x64xf32, #tpu.memory_space<hbm>> -> memref<64x64xf32, #tpu.memory_space<hbm>>
        %dma_wait3A_139 = arith.constant 0 : i32
        %dma_wait3A_140 = arith.constant 0 : i32
        %dma_wait3A_141 = tpu.memref_slice %arg11[%dma_wait3A_139, %dma_wait3A_140] : memref<128x64xf32, #tpu.memory_space<vmem>> -> memref<64x64xf32, #tpu.memory_space<vmem>>
        tpu.wait_dma2 semaphore(%run_scoped3A : memref<!tpu.dma_semaphore, #tpu.memory_space<semaphore_mem>>) src(%dma_wait3A_141 : memref<64x64xf32, #tpu.memory_space<vmem>>) dst(%dma_wait3A_138 : memref<64x64xf32, #tpu.memory_space<hbm>>)
        tpu.yield
      }) : () -> ()
      %scan3A_105 = arith.constant 0 : i32
      scf.yield %scan3A_105 : i32
    }
    %scan3A_93 = arith.constant 10 : i32
    return
  }
}

</mosaic_0001>

<sc_bundles>
// kernel: kernel.3.cloned.1.call-start
scs
__scs_entry_jumppad:
0x0: {  	(pc) =	sbr.rel $0x88, $3  }
0x1: {  	(tag) =	ssettag $0x0;
	lr =	simm.s32 $0x1  }
0x2: {  	[smem:$0x3F9F] =	sst lr;
	_ =	strace $0xD0000000  }
0x3: {  	_ = 	snop  }
0x4: {  	_ = 	snop  }
0x5: {  	_ = 	snop  }
0x6: {  	_ = 	snop  }
0x7: {  	_ = 	snop  }
__scs_overlays_trampoline_lowered:
0x8: {  	[smem:$0x3FAE] =	sst s0  }
0x9: {  	[smem:$0x3FAF] =	sst s1  }
0xa: {  	[smem:$0x3FB0] =	sst s2  }
0xb: {  	[smem:$0x3FB1] =	sst s3  }
0xc: {  	[smem:$0x3FB2] =	sst s4  }
0xd: {  	[smem:$0x3FB3] =	sst s5  }
0xe: {  	[smem:$0x3FB4] =	sst s6  }
0xf: {  	[smem:$0x3FB5] =	sst s7  }
0x10: {  	[smem:$0x3FB6] =	sst s8  }
0x11: {  	[smem:$0x3FB7] =	sst s9;
	s0 =	simm.s32 @!p0 $0x0  }
0x12: {  	s1 =	sld [smem:$0x3F9D];
	s0 =	simm.s32 @p0 $0x1  }
0x13: {  	[smem:$0x3FB8] =	sst s0;
	s0 =	simm.s32 @!p1 $0x0  }
0x14: {  	s2 =	sld [smem:$0x3F9C];
	s0 =	simm.s32 @p1 $0x1  }
0x15: {  	[smem:$0x3FB9] =	sst s0;
	s0 =	simm.s32 @!p2 $0x0  }
0x16: {  	s3 =	sld [smem:$0x3FDB];
	s0 =	simm.s32 @p2 $0x1  }
0x17: {  	s4 =	simm.s32 $0x1BF5;
	[smem:$0x3FBB] =	sst s0  }
0x18: {  	s0 =	sld [smem:$0x3F9E];
	_ =	swait.ge [sflag:s4], $0x0  }
0x19: {  	s7 =	sld [smem:$0x3F9F]  }
0x1a: {  	s8 =	sadd.s32 $0xFFFFE003, lr  }
0x1b: {  	s9 =	sadd.s32 $0xFFFFFEF7, lr;
	s5 =	simm.s32 $0xFFFFFFFF;
	p2 =	slt.u32 s8, $0xFFFFF086  }
0x1c: {  	p1 =	slt.u32 s9, $0xF7A;
	s5 =	simm.s32 @!p2 $0x0  }
0x1d: {  	s5 =	simm.s32 @p1 $0x1;
	p0 =	seq.s32 s7, s2  }
0x1e: {  	s7 =	smul.u32 @!p0 $0xF7A, s2;
	p2 =	seq.s32 @!p0 s5, $0x0  }
0x1f: {  	s9 =	smul.u32 $0xF7A, s1;
	s8 =	simm.s32 @!p0 $0x1BF5;
	p2 =	por !p2, p0  }
0x20: {  	[sflag:s8] =	ssyncset.s32 @!p0 $0xFFFFF086;
	s6 =	sadd.s32 @!p0 s3, s7;
	s7 =	simm.s32 @!p0 $0x108  }
0x21: {  	s3 =	sadd.s32 s3, s9;
	s6 =	sadd.s32 @!p0 $0x88, s6;
	s7 =	simm.s32 @p2 $0x1082  }
0x22: {  	[simem:s7], [sflag:s8] =	dma.local @!p0 [hbm:s6], $0xF7A  }
0x23: {  	s9 =	sor.u32 $0xD0000000, s2;
	s6 =	simm.s32 $0x108;
	_ =	swait.ge @!p0 [sflag:s8], $0x0  }
0x24: {  	s3 =	sadd.s32 $0x88, s3;
	s6 =	simm.s32 @!p1 $0x1082;
	[sflag:s4] =	ssyncset.s32 $0xFFFFF086  }
0x25: {  	[simem:s6], [sflag:s4] =	dma.local [hbm:s3], $0xF7A  }
0x26: {  	[smem:$0x3F9F] =	sst s1;
	(tag) =	ssettag s2;
	_ =	strace s9  }
0x27: {  	s1 =	sld [smem:$0x3FAF]  }
0x28: {  	s2 =	sld [smem:$0x3FB0]  }
0x29: {  	s4 =	sld [smem:$0x3FB2]  }
0x2a: {  	p0 =	seq.s32 s5, $0x0;
	s5 =	sld [smem:$0x3FB3]  }
0x2b: {  	s6 =	sld [smem:$0x3FB4]  }
0x2c: {  	s7 =	sld [smem:$0x3FB5]  }
0x2d: {  	s3 =	simm.s32 $0x108;
	s8 =	sld [smem:$0x3FB6]  }
0x2e: {  	s3 =	simm.s32 @!p0 $0x1082;
	s9 =	sld [smem:$0x3FB7]  }
0x2f: {  	lr =	sadd.s32 s0, s3;
	s0 =	sld [smem:$0x3FAE]  }
0x30: {  	s3 =	sld [smem:$0x3FB1]  }
0x31: {  	[smem:$0x3FBA] =	sst s10  }
0x32: {  	s10 =	sld [smem:$0x3FB8];
	_ =	sdelay $0x3  }
0x33: {  	p0 =	seq.s32 s10, $0x1;
	s10 =	sld [smem:$0x3FBA];
	_ =	sdelay $0x3  }
0x34: {  	[smem:$0x3FBA] =	sst s10  }
0x35: {  	s10 =	sld [smem:$0x3FB9];
	_ =	sdelay $0x3  }
0x36: {  	p1 =	seq.s32 s10, $0x1;
	s10 =	sld [smem:$0x3FBA];
	_ =	sdelay $0x3  }
0x37: {  	[smem:$0x3FBA] =	sst s10  }
0x38: {  	s10 =	sld [smem:$0x3FBB]  }
0x39: {  	_ = 	snop;
	(pc) =	sbr.ind lr, $3  }
0x3a: {  	_ = 	snop  }
0x3b: {  	_ = 	snop  }
0x3c: {  	p2 =	seq.s32 s10, $0x1;
	s10 =	sld [smem:$0x3FBA]  }
0x3d: {  	_ =	shalt  }
0x3e: {  	_ =	shalt  }
0x3f: {  	_ =	shalt  }
0x40: {  	_ =	shalt  }
0x41: {  	_ =	shalt  }
0x42: {  	_ =	shalt  }
0x43: {  	_ =	shalt  }
0x44: {  	_ =	shalt  }
0x45: {  	_ =	shalt  }
0x46: {  	_ =	shalt  }
0x47: {  	_ =	shalt  }
0x48: {  	_ =	shalt  }
0x49: {  	_ =	shalt  }
0x4a: {  	_ =	shalt  }
0x4b: {  	_ =	shalt  }
0x4c: {  	_ =	shalt  }
0x4d: {  	_ =	shalt  }
0x4e: {  	_ =	shalt  }
0x4f: {  	_ =	shalt  }
0x50: {  	_ =	shalt  }
0x51: {  	_ =	shalt  }
0x52: {  	_ =	shalt  }
0x53: {  	_ =	shalt  }
0x54: {  	_ =	shalt  }
0x55: {  	_ =	shalt  }
0x56: {  	_ =	shalt  }
0x57: {  	_ =	shalt  }
0x58: {  	_ =	shalt  }
0x59: {  	_ =	shalt  }
0x5a: {  	_ =	shalt  }
0x5b: {  	_ =	shalt  }
0x5c: {  	_ =	shalt  }
0x5d: {  	_ =	shalt  }
0x5e: {  	_ =	shalt  }
0x5f: {  	_ =	shalt  }
0x60: {  	_ =	shalt  }
0x61: {  	_ =	shalt  }
0x62: {  	_ =	shalt  }
0x63: {  	_ =	shalt  }
0x64: {  	_ =	shalt  }
0x65: {  	_ =	shalt  }
0x66: {  	_ =	shalt  }
0x67: {  	_ =	shalt  }
0x68: {  	_ =	shalt  }
0x69: {  	_ =	shalt  }
0x6a: {  	_ =	shalt  }
0x6b: {  	_ =	shalt  }
0x6c: {  	_ =	shalt  }
0x6d: {  	_ =	shalt  }
0x6e: {  	_ =	shalt  }
0x6f: {  	_ =	shalt  }
0x70: {  	_ =	shalt  }
0x71: {  	_ =	shalt  }
0x72: {  	_ =	shalt  }
0x73: {  	_ =	shalt  }
0x74: {  	_ =	shalt  }
0x75: {  	_ =	shalt  }
0x76: {  	_ =	shalt  }
0x77: {  	_ =	shalt  }
0x78: {  	_ =	shalt  }
0x79: {  	_ =	shalt  }
0x7a: {  	_ =	shalt  }
0x7b: {  	_ =	shalt  }
0x7c: {  	_ =	shalt  }
0x7d: {  	_ =	shalt  }
0x7e: {  	_ =	shalt  }
0x7f: {  	_ =	shalt  }
0x80: {  	_ =	shalt  }
0x81: {  	_ =	shalt  }
0x82: {  	_ =	shalt  }
0x83: {  	_ =	shalt  }
0x84: {  	_ =	shalt  }
0x85: {  	_ =	shalt  }
0x86: {  	_ =	shalt  }
0x87: {  	_ =	shalt  }
.Lfunc_end0:
.L_simem_size_0:
called_computation_lowered:
.L_overlay_start_0:
0x88: {  	s2 =	sld [smem:$0x3FD9]  }
0x89: {  	s3 =	sld [smem:$0x3FFE];
	_ =	sdelay $0x1  }
0x8a: {  	s1 =	srdreg.scid  }
0x8b: {  	s0 =	sand.u32 $0x1, s1  }
0x8c: {  	s18 =	sshll.u32 s0, $0xA;
	s2 =	sadd.s32 s3, s2  }
0x8d: {  	s3 =	sadd.s32 s2, s18  }
0x8e: {  	[smem:$0x3FC6] =	sst s3  }
0x8f: {  	_ = 	snop  }
0x90: {  	s3 =	sld [smem:$0x3FD0];
	(tm) =	ssettm $0x1  }
0x91: {  	s4 =	sld [smem:$0x3FFB];
	_ =	sdelay $0x3  }
0x92: {  	_ =	strace s4  }
0x93: {  	s4 =	sld [smem:$0x3FFC];
	_ =	sdelay $0x3  }
0x94: {  	_ =	strace s4  }
0x95: {  	s4 =	sld [smem:$0x3FFD];
	_ =	sdelay $0x3  }
0x96: {  	_ =	strace s4  }
0x97: {  	_ =	strace $0x8FFFFFFF  }
0x98: {  	s19 =	sld [smem:$0x3FDB];
	_ =	sdelay $0x1  }
0x99: {  	s5 =	simm.s32 $_scs_section_size  }
0x9a: {  	s6 =	simm.s32 $_size__tile_overlayer_lowered;
	s7 =	simm.s32 $_tile_overlayer_lowered  }
0x9b: {  	s22 =	simm.s32 $0x1BFF;
	s21 =	sshll.u32 s7, $0x1;
	s4 =	sadd.s32 s5, s19  }
0x9c: {  	s8 =	simm.s32 $0x0;
	s20 =	sshll.u32 s6, $0x1;
	s6 =	sadd.s32 s21, s4  }
0x9d: {  	[timem:s8], [sflag:s22] =	dma.local [hbm:s6], s20  }
0x9e: {  	_ =	swait.ge [sflag:s22], s20  }
0x9f: {  	s5 =	ssub.s32 $0x0, s20;
	[sflag:s22] =	ssyncset.done $0x0  }
0xa0: {  	[sflag:s22] =	ssyncadd.s32 s5;
	_ =	sdelay $0x1  }
0xa1: {  	s23 =	simm.s32 $0x1B8B  }
0xa2: {  	_ =	swait.ge [sflag:s23], $0x1  }
0xa3: {  	[sflag:s23] =	ssyncset.done $0x0  }
0xa4: {  	s25 =	simm.s32 $0x1B8E;
	s24 =	sld [smem:$0x3FFE];
	[sflag:s23] =	ssyncadd.s32 $0xFFFFFFFF  }
0xa5: {  	s26 =	simm.s32 $execute0_lowered;
	[smem:$0x3FD2] =	sst s25  }
0xa6: {  	s6 =	sshll.u32 s26, $0x1;
	_ =	strace $0x80000046;
	[dreg:$0x1] =	wrdreg $0xFFFFFFFF  }
0xa7: {  	s28 =	simm.s32 $_size_execute0_lowered;
	s4 =	sadd.s32 s4, s6;
	[dreg:$0x0] =	wrdreg $0x0  }
0xa8: {  	s6 =	sshll.u32 s28, $0x1;
	[dreg:$0x2] =	wrdreg s4  }
0xa9: {  	[dreg:$0x3] =	wrdreg s6  }
0xaa: {  	[dreg:$0x4] =	wrdreg $0xC0  }
0xab: {  	_ =	task [dreg:s8], $0x5FFFF  }
0xac: {  	[dreg:$0x1] =	wrdreg $0xFFFFFFFF  }
0xad: {  	[dreg:$0x0] =	wrdreg $0x60  }
0xae: {  	[dreg:$0x2] =	wrdreg s24  }
0xaf: {  	[dreg:$0x3] =	wrdreg s3  }
0xb0: {  	s2 =	sadd.s32 $0x800, s2;
	[dreg:$0x4] =	wrdreg $0x0  }
0xb1: {  	[dreg:$0x5] =	wrdreg s2  }
0xb2: {  	[dreg:$0x6] =	wrdreg $0x9  }
0xb3: {  	_ =	task.clear_ibuf [dreg:s8], $0x7FFFF;
	_ =	strace $0x90000046  }
0xb4: {  	s29 =	simm.s32 $0x9;
	_ =	strace $0x80000048  }
0xb5: {  	_ =	swait.ge [sflag:s29], $0x1  }
0xb6: {  	[sflag:s29] =	ssyncadd.s32 $0xFFFFFFFF  }
0xb7: {  	_ =	strace $0x90000048  }
0xb8: {  	_ =	sfence  }
0xb9: {  	s30 =	sld [smem:$0x0];
	_ =	sdelay $0x2  }
0xba: {  	s31 =	sshll.u32 s1, $0xD;
	s1 =	sshrl.u32 s1, $0x2  }
0xbb: {  	s3 =	sand.u32 $0x4000, s31;
	s1 =	sadd.s32 s1, s30  }
0xbc: {  	s0 =	sor.u32 s3, s0;
	s1 =	sshll.u32 s1, $0x11  }
0xbd: {  	s0 =	sor.u32 s1, s0  }
0xbe: {  	s0 =	sadd.s32 $0x8F2B, s0  }
0xbf: {  	[sflag:s0] =	ssyncadd.remote.s32 $0x1  }
0xc0: {  	_ =	sfence.sel $0xFFFF  }
0xc1: {  	[dreg:$0x0] =	wrdreg $0xFFFFFFFF;
	(pc) =	sbr.abs _section_cstart, $3  }
0xc2: {  	[dreg:$0x1] =	wrdreg $0xFFFFFFFF  }
0xc3: {  	_ =	task.clear_ibuf [dreg:s8], $0x2FFFF;
	_ =	strace $0x9FFFFFFF  }
0xc4: {  	(tm) =	ssettm $0x7FFFFFFF  }
0xc5: {  	_ =	shalt  }
tec
execute0_lowered:
.L_overlay_start_1:
0x0: {  	(tag) =	ssettag $0x1  }
0x1: {  	s0 =	rddreg [dreg:$0x0]  }
0x2: {  	s4 =	rddreg [dreg:$0x1]  }
0x3: {  	s1 =	rddreg [dreg:$0x2]  }
0x4: {  	s2 =	rddreg [dreg:$0x3];
	s3 =	simm.s32 $0x0  }
0x5: {  	s5 =	srdreg.scid;
	s11 =	stileid.u32;
	s28 =	simm.s32 $0x16800  }
0x6: {  	s29 =	simm.s32 $0x18800;
	s31 =	simm.s32 $0x1;
	s8 =	smul.u32 $0xA00, s11  }
0x7: {  	s13 =	simm.s32 $0x1C800;
	s6 =	sand.u32 $0x1, s5;
	s10 =	smul.u32 $0x28000, s11  }
0x8: {  	[smem:$0x7FF] =	sst s3;
	s5 =	smul.u32 $0x14000, s6;
	s7 =	ssub.s32 $0x2, s6  }
0x9: {  	_ =	strace $0x80000047;
	s15 =	sshrl.u32 s7, $0x1;
	s4 =	sadd.s32 s4, s8  }
0xa: {  	s9 =	sadd.s32 s5, s0;
	[dreg:$0x5] =	wrdreg s4;
	s0 =	sadd.s32 s0, s8  }
0xb: {  	s7 =	ssub.s32 s7, s15;
	[dreg:$0x6] =	wrdreg s0;
	s17 =	sadd.s32 $0x32000, s9  }
0xc: {  	s16 =	sshrl.u32 s10, $0x2;
	s18 =	smax.u32 s7, $0x1;
	[dreg:$0x8] =	wrdreg s17  }
0xd: {  	s14 =	simm.s32 $0x3;
	s0 =	sadd.s32 s16, s1;
	[dreg:$0x9] =	wrdreg s18  }
0xe: {  	s30 =	simm.s32 $0x8;
	s19 =	sadd.s32 $0x1000, s0;
	[dreg:$0x7] =	wrdreg s0  }
0xf: {  	s5 =	smul.u32 $0x280, s11;
	s20 =	sadd.s32 $0x2000, s0;
	[dreg:$0xa] =	wrdreg s19  }
0x10: {  	s8 =	smul.u32 $0x2800, s6;
	s21 =	sadd.s32 $0x3000, s0;
	[dreg:$0xb] =	wrdreg s20  }
0x11: {  	s4 =	simm.s32 $0x1A800;
	s22 =	sadd.s32 $0x4000, s0;
	[dreg:$0xc] =	wrdreg s21  }
0x12: {  	s6 =	simm.s32 $0x2;
	s23 =	sadd.s32 $0x5000, s0;
	[dreg:$0xd] =	wrdreg s22  }
0x13: {  	s10 =	sadd.s32 $0xA000, s9;
	s24 =	sadd.s32 $0x6000, s0;
	[dreg:$0xe] =	wrdreg s23  }
0x14: {  	s16 =	simm.s32 $0x5;
	s25 =	sadd.s32 $0x7000, s0;
	[dreg:$0xf] =	wrdreg s24  }
0x15: {  	s9 =	simm.s32 $0x7;
	s26 =	sadd.s32 $0x8000, s0;
	[dreg:$0x10] =	wrdreg s25  }
0x16: {  	s7 =	simm.s32 $0x0;
	s0 =	sadd.s32 $0x9000, s0;
	[dreg:$0x11] =	wrdreg s26  }
0x17: {  	s18 =	simm.s32 $0x4;
	[dreg:$0x12] =	wrdreg s0;
	s23 =	simm.s32 $0x9  }
0x18: {  	v1 =	vimm.f32 $0.0e+00;
	v2 =	vimm.f32 $1.000000000e+00;
	v0 =	vmov s8;
	s25 =	simm.s32 $0x1E800;
	s26 =	simm.s32 $0x80;
	s20 =	simm.s32 $0x6  }
.LBB2_1:
0x19: {  	[dreg:$0x13] =	wrdreg s7  }
0x1a: {  	s0 =	rddreg [dreg:$0x5];
	s21 =	simm.s32 $0xA000  }
0x1b: {  	[tilespmem:s21], [sflag:$0x9] =	stream.linear.gather [hbm4b:s0+s3], $0x5000, $0x38;
	[tilespmem:$0x1F800] =	vst v63  }
0x1c: {  	_ =	swait.ge [sflag:s23], $0x5000  }
0x1d: {  	[sflag:s23] =	ssyncset.done $0x0  }
0x1e: {  	s24 =	simm.s32 $0xF000;
	s22 =	rddreg [dreg:$0x6];
	[sflag:s23] =	ssyncadd.s32 $0xFFFFB000  }
0x1f: {  	[tilespmem:s24], [sflag:$0x9] =	stream.linear.gather [hbm4b:s22+s3], $0x5000, $0x38;
	[tilespmem:$0x1F800] =	vst v63  }
0x20: {  	_ =	swait.ge [sflag:s23], $0x5000  }
0x21: {  	[sflag:s23] =	ssyncset.done $0x0  }
0x22: {  	s0 =	simm.s32 $0x0;
	[sflag:s23] =	ssyncadd.s32 $0xFFFFB000  }
0x23: {  	v5 =	vld [tilespmem:s0+$0xA000]  }
0x24: {  	v7 =	vld [tilespmem:s0+$0xA010]  }
0x25: {  	v6 =	vld [tilespmem:s0+$0xA020]  }
0x26: {  	v4 =	vld [tilespmem:s0+$0xA030]  }
0x27: {  	v3 =	vld [tilespmem:s0+$0xA040]  }
0x28: {  	v8 =	vadd.s32 v0, v5;
	v5 =	vld [tilespmem:s0+$0xA050]  }
0x29: {  	s7 =	simm.s32 $0x200;
	[tilespmem:s0+$0xA000] =	vst v8;
	v8 =	vadd.s32 v0, v7;
	v7 =	vld [tilespmem:s0+$0xA060]  }
.LBB2_2:
0x2a: {  	s12 =	sshra.s32 s7, $0x2;
	p0 =	sne.s32 s7, $0x13E00;
	[tilespmem:s0+$0xA010] =	vst v8;
	v6 =	vadd.s32 v0, v6;
	v8 =	vld [tilespmem:s0+$0xA070]  }
0x2b: {  	v9 =	vld [tilespmem:s12+$0xA000];
	[tilespmem:s0+$0xA020] =	vst v6;
	v4 =	vadd.s32 v0, v4  }
0x2c: {  	v10 =	vld [tilespmem:s12+$0xA010];
	[tilespmem:s0+$0xA030] =	vst v4;
	v3 =	vadd.s32 v0, v3  }
.Ltmp0:
0x2d: {  	v6 =	vld [tilespmem:s12+$0xA020];
	[tilespmem:s0+$0xA040] =	vst v3;
	v3 =	vadd.s32 v0, v5;
	(pc) =	sbr.rel @p0 .LBB2_2-.Ltmp0, $4  }
0x2e: {  	v4 =	vld [tilespmem:s12+$0xA030];
	[tilespmem:s0+$0xA050] =	vst v3;
	v5 =	vadd.s32 v0, v7  }
0x2f: {  	v3 =	vld [tilespmem:s12+$0xA040];
	[tilespmem:s0+$0xA060] =	vst v5;
	v7 =	vadd.s32 v0, v8  }
0x30: {  	v8 =	vadd.s32 v0, v9;
	v5 =	vld [tilespmem:s12+$0xA050];
	[tilespmem:s0+$0xA070] =	vst v7;
	s0 =	smov.u32 s12  }
0x31: {  	s7 =	sadd.s32 $0x200, s7;
	[tilespmem:s0+$0xA000] =	vst v8;
	v8 =	vadd.s32 v0, v10;
	v7 =	vld [tilespmem:s0+$0xA060]  }
0x32: {  	[tilespmem:s0+$0xA010] =	vst v8;
	v6 =	vadd.s32 v0, v6;
	v63 =	vld [tilespmem:s0+$0xA070]  }
0x33: {  	[tilespmem:s0+$0xA020] =	vst v6;
	v4 =	vadd.s32 v0, v4  }
0x34: {  	[tilespmem:s0+$0xA030] =	vst v4;
	v3 =	vadd.s32 v0, v3  }
0x35: {  	[tilespmem:s0+$0xA040] =	vst v3;
	v3 =	vadd.s32 v0, v5  }
0x36: {  	[tilespmem:s0+$0xA050] =	vst v3;
	v3 =	vadd.s32 v0, v7  }
0x37: {  	[tilespmem:s0+$0xA060] =	vst v3;
	v3 =	vadd.s32 v0, v63  }
0x38: {  	s7 =	simm.s32 $0x100;
	[tilespmem:s0+$0xA070] =	vst v3;
	s0 =	simm.s32 $0x0  }
.LBB2_4:
0x39: {  	p0 =	sne.s32 s7, $0x3F00;
	[tilespmem:s0+$0x1E830] =	vst v1;
	s12 =	smov.u32 s7;
	s7 =	sadd.s32 $0x100, s7  }
.Ltmp1:
0x3a: {  	[tilespmem:s0+$0x1E820] =	vst v1;
	(pc) =	sbr.rel @p0 .LBB2_4-.Ltmp1, $3  }
0x3b: {  	[tilespmem:s0+$0x1E800] =	vst v1  }
0x3c: {  	[tilespmem:s0+$0x1E810] =	vst v1;
	_ =	sdelay $0x1  }
0x3d: {  	s0 =	sshra.s32 s12, $0x2  }
0x3e: {  	[tilespmem:s0+$0x1E830] =	vst v1  }
0x3f: {  	[tilespmem:s0+$0x1E820] =	vst v1  }
0x40: {  	[tilespmem:s0+$0x1E800] =	vst v1  }
0x41: {  	[tilespmem:s0+$0x1E810] =	vst v1;
	s24 =	rddreg [dreg:$0x7]  }
0x42: {  	[spmem:s24] =	stream.linear.scatter [tilespmem:s25], [sflag:$0x9], $0x1000, $0x38;
	[tilespmem:$0x1F800] =	vst v63  }
0x43: {  	_ =	swait.ge [sflag:s23], $0x1000  }
0x44: {  	[sflag:s23] =	ssyncset.done $0x0  }
0x45: {  	s7 =	rddreg [dreg:$0xa];
	[sflag:s23] =	ssyncadd.s32 $0xFFFFF000  }
0x46: {  	[spmem:s7] =	stream.linear.scatter [tilespmem:s25], [sflag:$0x9], $0x1000, $0x38;
	[tilespmem:$0x1F800] =	vst v63  }
0x47: {  	_ =	swait.ge [sflag:s23], $0x1000  }
0x48: {  	[sflag:s23] =	ssyncset.done $0x0  }
0x49: {  	s11 =	rddreg [dreg:$0xb];
	[sflag:s23] =	ssyncadd.s32 $0xFFFFF000  }
0x4a: {  	[spmem:s11] =	stream.linear.scatter [tilespmem:s25], [sflag:$0x9], $0x1000, $0x38;
	[tilespmem:$0x1F800] =	vst v63  }
0x4b: {  	_ =	swait.ge [sflag:s23], $0x1000  }
0x4c: {  	[sflag:s23] =	ssyncset.done $0x0  }
0x4d: {  	s12 =	rddreg [dreg:$0xc];
	[sflag:s23] =	ssyncadd.s32 $0xFFFFF000  }
0x4e: {  	[spmem:s12] =	stream.linear.scatter [tilespmem:s25], [sflag:$0x9], $0x1000, $0x38;
	[tilespmem:$0x1F800] =	vst v63  }
0x4f: {  	_ =	swait.ge [sflag:s23], $0x1000  }
0x50: {  	[sflag:s23] =	ssyncset.done $0x0  }
0x51: {  	s15 =	rddreg [dreg:$0xd];
	[sflag:s23] =	ssyncadd.s32 $0xFFFFF000  }
0x52: {  	[spmem:s15] =	stream.linear.scatter [tilespmem:s25], [sflag:$0x9], $0x1000, $0x38;
	[tilespmem:$0x1F800] =	vst v63  }
0x53: {  	_ =	swait.ge [sflag:s23], $0x1000  }
0x54: {  	[sflag:s23] =	ssyncset.done $0x0  }
0x55: {  	s17 =	rddreg [dreg:$0xe];
	[sflag:s23] =	ssyncadd.s32 $0xFFFFF000  }
0x56: {  	[spmem:s17] =	stream.linear.scatter [tilespmem:s25], [sflag:$0x9], $0x1000, $0x38;
	[tilespmem:$0x1F800] =	vst v63  }
0x57: {  	_ =	swait.ge [sflag:s23], $0x1000  }
0x58: {  	[sflag:s23] =	ssyncset.done $0x0  }
0x59: {  	s19 =	rddreg [dreg:$0xf];
	[sflag:s23] =	ssyncadd.s32 $0xFFFFF000  }
0x5a: {  	[spmem:s19] =	stream.linear.scatter [tilespmem:s25], [sflag:$0x9], $0x1000, $0x38;
	[tilespmem:$0x1F800] =	vst v63  }
0x5b: {  	_ =	swait.ge [sflag:s23], $0x1000  }
0x5c: {  	[sflag:s23] =	ssyncset.done $0x0  }
0x5d: {  	s21 =	rddreg [dreg:$0x10];
	[sflag:s23] =	ssyncadd.s32 $0xFFFFF000  }
0x5e: {  	[spmem:s21] =	stream.linear.scatter [tilespmem:s25], [sflag:$0x9], $0x1000, $0x38;
	[tilespmem:$0x1F800] =	vst v63  }
0x5f: {  	_ =	swait.ge [sflag:s23], $0x1000  }
0x60: {  	[sflag:s23] =	ssyncset.done $0x0  }
0x61: {  	s22 =	rddreg [dreg:$0x11];
	[sflag:s23] =	ssyncadd.s32 $0xFFFFF000  }
0x62: {  	[spmem:s22] =	stream.linear.scatter [tilespmem:s25], [sflag:$0x9], $0x1000, $0x38;
	[tilespmem:$0x1F800] =	vst v63  }
0x63: {  	_ =	swait.ge [sflag:s23], $0x1000  }
0x64: {  	[sflag:s23] =	ssyncset.done $0x0  }
0x65: {  	s24 =	rddreg [dreg:$0x12];
	[sflag:s23] =	ssyncadd.s32 $0xFFFFF000  }
0x66: {  	[spmem:s24] =	stream.linear.scatter [tilespmem:s25], [sflag:$0x9], $0x1000, $0x38;
	[tilespmem:$0x1F800] =	vst v63  }
0x67: {  	_ =	swait.ge [sflag:s23], $0x1000  }
0x68: {  	[sflag:s23] =	ssyncset.done $0x0  }
0x69: {  	s0 =	simm.s32 $0x0;
	s7 =	simm.s32 $0x100;
	[sflag:s23] =	ssyncadd.s32 $0xFFFFF000  }
.LBB2_6:
0x6a: {  	p0 =	sne.s32 s7, $0x7F00;
	[tilespmem:s0+$0x16830] =	vst v2;
	s12 =	smov.u32 s7;
	s7 =	sadd.s32 $0x100, s7  }
.Ltmp2:
0x6b: {  	[tilespmem:s0+$0x16820] =	vst v2;
	(pc) =	sbr.rel @p0 .LBB2_6-.Ltmp2, $3  }
0x6c: {  	[tilespmem:s0+$0x16800] =	vst v2  }
0x6d: {  	[tilespmem:s0+$0x16810] =	vst v2;
	_ =	sdelay $0x1  }
0x6e: {  	s0 =	sshra.s32 s12, $0x2  }
0x6f: {  	[tilespmem:s0+$0x16830] =	vst v2  }
0x70: {  	[tilespmem:s0+$0x16820] =	vst v2  }
0x71: {  	[tilespmem:s0+$0x16800] =	vst v2  }
0x72: {  	[tilespmem:s0+$0x16810] =	vst v2  }
0x73: {  	s24 =	simm.s32 $0xF000;
	[bflag:$0x0] =	sbarrier.arrive $0xFFFF  }
0x74: {  	[spmem:s1] =	stream.indirect.scatter.add.f32 [tilespmem:s28], [sflag:$0x9], $0x40, s24, s26, $0xb8;
	[tilespmem:$0x1F800] =	vst v63  }
0x75: {  	s0 =	simm.s32 $0x200;
	_ =	swait.ge [sflag:s23], $0x2000  }
.LBB2_8:
0x76: {  	s7 =	sshra.s32 s0, $0x2;
	[sflag:s23] =	ssyncset.done $0x0;
	p0 =	sne.s32 s0, $0x13E00  }
.Ltmp3:
0x77: {  	s7 =	sadd.s32 $0xF000, s7;
	[sflag:s23] =	ssyncadd.s32 $0xFFFFE000;
	(pc) =	sbr.rel @p0 .LBB2_8-.Ltmp3, $3  }
0x78: {  	[spmem:s1] =	stream.indirect.scatter.add.f32 [tilespmem:s28], [sflag:$0x9], $0x40, s7, s26, $0xb8;
	[tilespmem:$0x1F800] =	vst v63  }
0x79: {  	s0 =	sadd.s32 $0x200, s0;
	_ =	sdelay $0x1  }
0x7a: {  	_ =	swait.ge [sflag:s23], $0x2000  }
0x7b: {  	[sflag:s23] =	ssyncset.done $0x0  }
0x7c: {  	s0 =	simm.s32 $0x0;
	[sflag:s23] =	ssyncadd.s32 $0xFFFFE000  }
0x7d: {  	s21 =	simm.s32 $0x14000;
	s12 =	simm.s32 $0x0;
	[bflag:$0x0] =	sbarrier.arrive $0xFFFF  }
.LBB2_10:
0x7e: {  	s7 =	sshll.u32 s12, $0x6  }
0x7f: {  	s17 =	sadd.s32 s5, s7  }
0x80: {  	s7 =	sshll.u32 s17, $0x6  }
0x81: {  	s7 =	sand.u32 $0x3FFFFFC0, s7  }
0x82: {  	s15 =	sadd.s32 s7, s1  }
0x83: {  	[tilespmem:s28], [sflag:$0x9] =	stream.linear.gather [spmem:s15], $0x1000, $0x38;
	[tilespmem:$0x1F800] =	vst v63  }
0x84: {  	_ =	swait.ge [sflag:s23], $0x1000  }
0x85: {  	s24 =	sshll.u32 s17, $0x3;
	[sflag:s23] =	ssyncset.done $0x0  }
0x86: {  	s7 =	sadd.s32 s24, s10;
	[sflag:s23] =	ssyncadd.s32 $0xFFFFF000  }
0x87: {  	[tilespmem:s29], [sflag:$0x9] =	stream.linear.gather [hbm4b:s7+s0], $0x1000, $0x38;
	[tilespmem:$0x1F800] =	vst v63  }
0x88: {  	_ =	swait.ge [sflag:s23], $0x1000  }
0x89: {  	[sflag:s23] =	ssyncset.done $0x0  }
0x8a: {  	s19 =	simm.s32 $0x0;
	[sflag:s23] =	ssyncadd.s32 $0xFFFFF000  }
0x8b: {  	v3 =	vld [tilespmem:s19+$0x16800];
	_ =	sdelay $0x4  }
0x8c: {  	v3 =	vmax.f32 v3, $1.000000000e+00  }
0x8d: {  	v4 =	vshra.s32 v3, $0x1;
	v3 =	vmul.f32 $5.000000000e-01, v3  }
0x8e: {  	v4 =	vsub.s32 $0x5F3759DF, v4  }
0x8f: {  	v5 =	vmul.f32 v4, v3;
	_ =	sdelay $0x1  }
0x90: {  	v5 =	vmul.f32 v4, v5;
	_ =	sdelay $0x1  }
0x91: {  	v5 =	vsub.f32 $1.500000000e+00, v5;
	_ =	sdelay $0x1  }
0x92: {  	v4 =	vmul.f32 v4, v5;
	_ =	sdelay $0x1  }
0x93: {  	v5 =	vmul.f32 v4, v3;
	_ =	sdelay $0x1  }
0x94: {  	v5 =	vmul.f32 v5, v4;
	_ =	sdelay $0x1  }
0x95: {  	v5 =	vsub.f32 $1.500000000e+00, v5;
	_ =	sdelay $0x1  }
0x96: {  	v4 =	vmul.f32 v5, v4;
	_ =	sdelay $0x1  }
0x97: {  	v3 =	vmul.f32 v4, v3;
	_ =	sdelay $0x1  }
0x98: {  	v3 =	vmul.f32 v3, v4;
	_ =	sdelay $0x1  }
0x99: {  	v3 =	vsub.f32 $1.500000000e+00, v3;
	_ =	sdelay $0x1  }
0x9a: {  	v3 =	vmul.f32 v3, v4;
	_ =	sdelay $0x1  }
0x9b: {  	[tilespmem:s21+$0x0] =	vst v3  }
0x9c: {  	v4 =	vld [tilespmem:s19+$0x18800];
	_ =	sdelay $0x2  }
0x9d: {  	v5 =	vld [tilespmem:s19+$0x18810]  }
0x9e: {  	v6 =	vld [tilespmem:s19+$0x18820]  }
0x9f: {  	v7 =	vmul.f32 v3, v4;
	v4 =	vld [tilespmem:s19+$0x18830];
	_ =	sdelay $0x2  }
0xa0: {  	v5 =	vmul.f32 v3, v5  }
0xa1: {  	s22 =	simm.s32 $0x200;
	s24 =	simm.s32 $0x40;
	s7 =	smov.u32 s21;
	v6 =	vmul.f32 v3, v6;
	[tilespmem:s19+$0x16800] =	vst v7  }
.LBB2_11:
0xa2: {  	p0 =	sne.s32 s22, $0x3F00;
	v7 =	vld [tilespmem:s24+$0x16800];
	[tilespmem:s19+$0x16810] =	vst v5;
	v3 =	vmul.f32 v3, v4  }
0xa3: {  	[tilespmem:s19+$0x16820] =	vst v6  }
0xa4: {  	[tilespmem:s19+$0x16830] =	vst v3;
	s19 =	smov.u32 s24;
	_ =	sdelay $0x2  }
0xa5: {  	v3 =	vmax.f32 v7, $1.000000000e+00  }
0xa6: {  	v4 =	vshra.s32 v3, $0x1;
	v3 =	vmul.f32 $5.000000000e-01, v3  }
0xa7: {  	v4 =	vsub.s32 $0x5F3759DF, v4  }
0xa8: {  	v5 =	vmul.f32 v4, v3;
	_ =	sdelay $0x1  }
0xa9: {  	v5 =	vmul.f32 v4, v5;
	_ =	sdelay $0x1  }
0xaa: {  	v5 =	vsub.f32 $1.500000000e+00, v5;
	_ =	sdelay $0x1  }
0xab: {  	v4 =	vmul.f32 v4, v5;
	_ =	sdelay $0x1  }
0xac: {  	v5 =	vmul.f32 v4, v3;
	_ =	sdelay $0x1  }
0xad: {  	v5 =	vmul.f32 v5, v4;
	_ =	sdelay $0x1  }
0xae: {  	v5 =	vsub.f32 $1.500000000e+00, v5;
	_ =	sdelay $0x1  }
0xaf: {  	v4 =	vmul.f32 v5, v4;
	_ =	sdelay $0x1  }
0xb0: {  	v3 =	vmul.f32 v4, v3;
	_ =	sdelay $0x1  }
0xb1: {  	v3 =	vmul.f32 v3, v4;
	_ =	sdelay $0x1  }
0xb2: {  	v3 =	vsub.f32 $1.500000000e+00, v3;
	_ =	sdelay $0x1  }
0xb3: {  	v3 =	vmul.f32 v3, v4  }
0xb4: {  	s7 =	sadd.s32 $0x10, s7  }
0xb5: {  	[tilespmem:s7+$0x0] =	vst v3  }
0xb6: {  	v5 =	vld [tilespmem:s19+$0x18800]  }
0xb7: {  	v6 =	vld [tilespmem:s19+$0x18810]  }
0xb8: {  	v7 =	vld [tilespmem:s19+$0x18820]  }
.Ltmp4:
0xb9: {  	v4 =	vld [tilespmem:s19+$0x18830];
	(pc) =	sbr.rel @p0 .LBB2_11-.Ltmp4, $4  }
0xba: {  	_ = 	snop  }
0xbb: {  	v8 =	vmul.f32 v3, v5  }
0xbc: {  	v5 =	vmul.f32 v3, v6  }
0xbd: {  	s24 =	sshra.s32 s22, $0x2;
	s22 =	sadd.s32 $0x100, s22;
	[tilespmem:s19+$0x16800] =	vst v8;
	v6 =	vmul.f32 v3, v7  }
0xbe: {  	v7 =	vld [tilespmem:s24+$0x16800];
	_ =	sdelay $0x4  }
0xbf: {  	v7 =	vmax.f32 v7, $1.000000000e+00  }
0xc0: {  	v8 =	vshra.s32 v7, $0x1;
	v7 =	vmul.f32 $5.000000000e-01, v7  }
0xc1: {  	v8 =	vsub.s32 $0x5F3759DF, v8  }
0xc2: {  	v9 =	vmul.f32 v8, v7;
	_ =	sdelay $0x1  }
0xc3: {  	v9 =	vmul.f32 v8, v9;
	_ =	sdelay $0x1  }
0xc4: {  	v9 =	vsub.f32 $1.500000000e+00, v9;
	_ =	sdelay $0x1  }
0xc5: {  	v8 =	vmul.f32 v8, v9;
	_ =	sdelay $0x1  }
0xc6: {  	v9 =	vmul.f32 v8, v7;
	_ =	sdelay $0x1  }
0xc7: {  	v9 =	vmul.f32 v9, v8;
	_ =	sdelay $0x1  }
0xc8: {  	v9 =	vsub.f32 $1.500000000e+00, v9;
	_ =	sdelay $0x1  }
0xc9: {  	v8 =	vmul.f32 v9, v8;
	_ =	sdelay $0x1  }
0xca: {  	v7 =	vmul.f32 v8, v7;
	_ =	sdelay $0x1  }
0xcb: {  	v7 =	vmul.f32 v7, v8;
	_ =	sdelay $0x1  }
0xcc: {  	v7 =	vsub.f32 $1.500000000e+00, v7  }
0xcd: {  	[tilespmem:s19+$0x16810] =	vst v5;
	v3 =	vmul.f32 v3, v4  }
0xce: {  	[tilespmem:s19+$0x16820] =	vst v6;
	v62 =	vmul.f32 v7, v8  }
0xcf: {  	s7 =	sadd.s32 $0x10, s7;
	[tilespmem:s19+$0x16830] =	vst v3  }
0xd0: {  	[tilespmem:s7+$0x0] =	vst v62  }
0xd1: {  	v3 =	vld [tilespmem:s24+$0x18800]  }
0xd2: {  	v5 =	vld [tilespmem:s24+$0x18810]  }
0xd3: {  	v63 =	vld [tilespmem:s24+$0x18830]  }
0xd4: {  	v6 =	vld [tilespmem:s24+$0x18820];
	_ =	sdelay $0x1  }
0xd5: {  	v3 =	vmul.f32 v62, v3  }
0xd6: {  	v5 =	vmul.f32 v62, v5  }
0xd7: {  	v4 =	vmul.f32 v62, v63;
	[tilespmem:s24+$0x16800] =	vst v3  }
0xd8: {  	s22 =	sadd.s32 s8, s17;
	v3 =	vmul.f32 v62, v6;
	[tilespmem:s24+$0x16810] =	vst v5  }
0xd9: {  	s7 =	sshll.u32 s22, $0x3;
	[tilespmem:s24+$0x16830] =	vst v4  }
0xda: {  	s7 =	sadd.s32 s7, s2;
	[tilespmem:s24+$0x16820] =	vst v3  }
0xdb: {  	[hbm4b:s7+s3] =	stream.linear.scatter [tilespmem:s28], [sflag:$0x9], $0x1000, $0x38;
	[tilespmem:$0x1F800] =	vst v63  }
0xdc: {  	s12 =	sadd.s32 $0x1, s12;
	_ =	swait.ge [sflag:s23], $0x1000  }
0xdd: {  	p0 =	sne.s32 s12, $0xA;
	[sflag:s23] =	ssyncset.done $0x0  }
.Ltmp5:
0xde: {  	[sflag:s23] =	ssyncadd.s32 $0xFFFFF000;
	(pc) =	sbr.rel @p0 .LBB2_10-.Ltmp5, $4  }
0xdf: {  	[spmem:s15] =	stream.linear.scatter [tilespmem:s25], [sflag:$0x9], $0x1000, $0x38;
	[tilespmem:$0x1F800] =	vst v63  }
0xe0: {  	_ =	swait.ge [sflag:s23], $0x1000  }
0xe1: {  	[sflag:s23] =	ssyncset.done $0x0  }
0xe2: {  	s21 =	sadd.s32 $0x400, s21;
	[sflag:s23] =	ssyncadd.s32 $0xFFFFF000  }
0xe3: {  	[bflag:$0x0] =	sbarrier.arrive $0xFFFF;
	s0 =	simm.s32 $0x0  }
.LBB2_14:
0xe4: {  	s7 =	simm.s32 $0xA000  }
0xe5: {  	[tilespmem:s28], [sflag:$0x1] =	stream.indirect.gather [hbm4b:s2+s26], $0x40, s7, s26, $0xb8;
	[tilespmem:$0x1F800] =	vst v63  }
0xe6: {  	s24 =	simm.s32 $0xA080  }
0xe7: {  	[tilespmem:s29], [sflag:$0x2] =	stream.indirect.gather [hbm4b:s2+s26], $0x40, s24, s26, $0xb8;
	[tilespmem:$0x1F800] =	vst v63  }
0xe8: {  	_ =	swait.ge [sflag:s31], $0x2000  }
0xe9: {  	[sflag:s31] =	ssyncset.done $0x0  }
0xea: {  	s11 =	simm.s32 $0xF000;
	[sflag:s31] =	ssyncadd.s32 $0xFFFFE000  }
0xeb: {  	[spmem:s1] =	stream.indirect.scatter.add.f32 [tilespmem:s28], [sflag:$0x5], $0x40, s11, s26, $0xb8;
	[tilespmem:$0x1F800] =	vst v63  }
0xec: {  	s12 =	simm.s32 $0xA100  }
0xed: {  	[tilespmem:s4], [sflag:$0x3] =	stream.indirect.gather [hbm4b:s2+s26], $0x40, s12, s26, $0xb8;
	[tilespmem:$0x1F800] =	vst v63  }
0xee: {  	_ =	swait.ge [sflag:s6], $0x2000  }
0xef: {  	[sflag:s6] =	ssyncset.done $0x0  }
0xf0: {  	s15 =	simm.s32 $0xF080;
	[sflag:s6] =	ssyncadd.s32 $0xFFFFE000  }
0xf1: {  	[spmem:s1] =	stream.indirect.scatter.add.f32 [tilespmem:s29], [sflag:$0x6], $0x40, s15, s26, $0xb8;
	[tilespmem:$0x1F800] =	vst v63  }
0xf2: {  	s17 =	simm.s32 $0xA180  }
0xf3: {  	[tilespmem:s13], [sflag:$0x4] =	stream.indirect.gather [hbm4b:s2+s26], $0x40, s17, s26, $0xb8;
	[tilespmem:$0x1F800] =	vst v63  }
0xf4: {  	_ =	swait.ge [sflag:s14], $0x2000  }
0xf5: {  	[sflag:s14] =	ssyncset.done $0x0  }
0xf6: {  	s19 =	simm.s32 $0xF100;
	[sflag:s14] =	ssyncadd.s32 $0xFFFFE000  }
0xf7: {  	[spmem:s1] =	stream.indirect.scatter.add.f32 [tilespmem:s4], [sflag:$0x7], $0x40, s19, s26, $0xb8;
	[tilespmem:$0x1F800] =	vst v63  }
0xf8: {  	_ =	swait.ge [sflag:s16], $0x2000  }
0xf9: {  	[sflag:s16] =	ssyncset.done $0x0  }
0xfa: {  	s21 =	simm.s32 $0xA200;
	[sflag:s16] =	ssyncadd.s32 $0xFFFFE000  }
0xfb: {  	[tilespmem:s28], [sflag:$0x1] =	stream.indirect.gather [hbm4b:s2+s26], $0x40, s21, s26, $0xb8;
	[tilespmem:$0x1F800] =	vst v63  }
0xfc: {  	_ =	swait.ge [sflag:s18], $0x2000  }
0xfd: {  	[sflag:s18] =	ssyncset.done $0x0  }
0xfe: {  	s22 =	simm.s32 $0xF180;
	[sflag:s18] =	ssyncadd.s32 $0xFFFFE000  }
0xff: {  	[spmem:s1] =	stream.indirect.scatter.add.f32 [tilespmem:s13], [sflag:$0x8], $0x40, s22, s26, $0xb8;
	[tilespmem:$0x1F800] =	vst v63  }
0x100: {  	_ =	swait.ge [sflag:s20], $0x2000  }
0x101: {  	[sflag:s20] =	ssyncset.done $0x0  }
0x102: {  	s7 =	simm.s32 $0x0;
	s24 =	simm.s32 $0xA280;
	[sflag:s20] =	ssyncadd.s32 $0xFFFFE000  }
0x103: {  	[tilespmem:s29], [sflag:$0x2] =	stream.indirect.gather [hbm4b:s2+s26], $0x40, s24, s26, $0xb8;
	[tilespmem:$0x1F800] =	vst v63  }
.LBB2_15:
0x104: {  	_ =	swait.ge [sflag:s31], $0x2000  }
0x105: {  	s12 =	sshra.s32 s7, $0x2;
	[sflag:s31] =	ssyncset.done $0x0  }
0x106: {  	s15 =	sadd.s32 $0xF200, s12;
	[sflag:s31] =	ssyncadd.s32 $0xFFFFE000  }
0x107: {  	[spmem:s1] =	stream.indirect.scatter.add.f32 [tilespmem:s28], [sflag:$0x5], $0x40, s15, s26, $0xb8;
	[tilespmem:$0x1F800] =	vst v63  }
0x108: {  	_ =	swait.ge [sflag:s9], $0x2000  }
0x109: {  	[sflag:s9] =	ssyncset.done $0x0  }
0x10a: {  	s19 =	sadd.s32 $0xA300, s12;
	[sflag:s9] =	ssyncadd.s32 $0xFFFFE000  }
0x10b: {  	[tilespmem:s4], [sflag:$0x3] =	stream.indirect.gather [hbm4b:s2+s26], $0x40, s19, s26, $0xb8;
	[tilespmem:$0x1F800] =	vst v63  }
0x10c: {  	_ =	swait.ge [sflag:s6], $0x2000  }
0x10d: {  	[sflag:s6] =	ssyncset.done $0x0  }
0x10e: {  	s21 =	sadd.s32 $0xF280, s12;
	[sflag:s6] =	ssyncadd.s32 $0xFFFFE000  }
0x10f: {  	[spmem:s1] =	stream.indirect.scatter.add.f32 [tilespmem:s29], [sflag:$0x6], $0x40, s21, s26, $0xb8;
	[tilespmem:$0x1F800] =	vst v63  }
0x110: {  	_ =	swait.ge [sflag:s30], $0x2000  }
0x111: {  	[sflag:s30] =	ssyncset.done $0x0  }
0x112: {  	s22 =	sadd.s32 $0xA380, s12;
	[sflag:s30] =	ssyncadd.s32 $0xFFFFE000  }
0x113: {  	[tilespmem:s13], [sflag:$0x4] =	stream.indirect.gather [hbm4b:s2+s26], $0x40, s22, s26, $0xb8;
	[tilespmem:$0x1F800] =	vst v63  }
0x114: {  	_ =	swait.ge [sflag:s14], $0x2000  }
0x115: {  	p0 =	seq.s32 s7, $0x13000;
	[sflag:s14] =	ssyncset.done $0x0  }
.Ltmp6:
0x116: {  	s24 =	sadd.s32 $0xF300, s12;
	[sflag:s14] =	ssyncadd.s32 $0xFFFFE000;
	(pc) =	sbr.rel @p0 .LBB2_17-.Ltmp6, $4  }
0x117: {  	[spmem:s1] =	stream.indirect.scatter.add.f32 [tilespmem:s4], [sflag:$0x7], $0x40, s24, s26, $0xb8;
	[tilespmem:$0x1F800] =	vst v63  }
0x118: {  	_ =	swait.ge [sflag:s16], $0x2000  }
0x119: {  	[sflag:s16] =	ssyncset.done $0x0  }
0x11a: {  	s15 =	sadd.s32 $0xF380, s12;
	[sflag:s16] =	ssyncadd.s32 $0xFFFFE000  }
0x11b: {  	s17 =	sadd.s32 $0xA400, s12  }
0x11c: {  	[tilespmem:s28], [sflag:$0x1] =	stream.indirect.gather [hbm4b:s2+s26], $0x40, s17, s26, $0xb8;
	[tilespmem:$0x1F800] =	vst v63  }
0x11d: {  	_ =	swait.ge [sflag:s18], $0x2000  }
0x11e: {  	[sflag:s18] =	ssyncset.done $0x0  }
0x11f: {  	[sflag:s18] =	ssyncadd.s32 $0xFFFFE000  }
0x120: {  	[spmem:s1] =	stream.indirect.scatter.add.f32 [tilespmem:s13], [sflag:$0x8], $0x40, s15, s26, $0xb8;
	[tilespmem:$0x1F800] =	vst v63  }
.Ltmp7:
0x121: {  	_ = 	snop;
	(pc) =	sbr.rel .LBB2_15-.Ltmp7, $4  }
0x122: {  	_ =	swait.ge [sflag:s20], $0x2000  }
0x123: {  	[sflag:s20] =	ssyncset.done $0x0  }
0x124: {  	s24 =	sadd.s32 $0xA480, s12;
	s7 =	sadd.s32 $0x800, s7;
	[sflag:s20] =	ssyncadd.s32 $0xFFFFE000  }
0x125: {  	[tilespmem:s29], [sflag:$0x2] =	stream.indirect.gather [hbm4b:s2+s26], $0x40, s24, s26, $0xb8;
	[tilespmem:$0x1F800] =	vst v63  }
.LBB2_17:
0x126: {  	_ =	swait.ge [sflag:s18], $0x2000  }
0x127: {  	[sflag:s18] =	ssyncset.done $0x0  }
0x128: {  	[sflag:s18] =	ssyncadd.s32 $0xFFFFE000  }
0x129: {  	[spmem:s1] =	stream.indirect.scatter.add.f32 [tilespmem:s13], [sflag:$0x8], $0x40, s15, s26, $0xb8;
	[tilespmem:$0x1F800] =	vst v63  }
0x12a: {  	_ =	swait.ge [sflag:s20], $0x2000  }
0x12b: {  	[sflag:s20] =	ssyncset.done $0x0  }
0x12c: {  	[sflag:s20] =	ssyncadd.s32 $0xFFFFE000  }
0x12d: {  	_ =	swait.ge [sflag:s9], $0x2000  }
0x12e: {  	[sflag:s9] =	ssyncset.done $0x0  }
0x12f: {  	[sflag:s9] =	ssyncadd.s32 $0xFFFFE000  }
0x130: {  	_ =	swait.ge [sflag:s30], $0x2000  }
0x131: {  	[sflag:s30] =	ssyncset.done $0x0  }
0x132: {  	s7 =	simm.s32 $0x0;
	[sflag:s30] =	ssyncadd.s32 $0xFFFFE000  }
0x133: {  	s12 =	simm.s32 $0x14000;
	s15 =	simm.s32 $0x0;
	[bflag:$0x0] =	sbarrier.arrive $0xFFFF  }
.LBB2_18:
0x134: {  	s17 =	sshll.u32 s15, $0x6  }
0x135: {  	s19 =	sadd.s32 s5, s17  }
0x136: {  	s17 =	sshll.u32 s19, $0x6  }
0x137: {  	s17 =	sand.u32 $0x3FFFFFC0, s17  }
0x138: {  	s17 =	sadd.s32 s17, s1  }
0x139: {  	[tilespmem:s28], [sflag:$0x9] =	stream.linear.gather [spmem:s17], $0x1000, $0x38;
	[tilespmem:$0x1F800] =	vst v63  }
0x13a: {  	_ =	swait.ge [sflag:s23], $0x1000  }
0x13b: {  	s21 =	sshll.u32 s19, $0x3;
	[sflag:s23] =	ssyncset.done $0x0  }
0x13c: {  	s21 =	sadd.s32 s21, s10;
	[sflag:s23] =	ssyncadd.s32 $0xFFFFF000  }
0x13d: {  	[tilespmem:s29], [sflag:$0x9] =	stream.linear.gather [hbm4b:s21+s7], $0x1000, $0x38;
	[tilespmem:$0x1F800] =	vst v63  }
0x13e: {  	_ =	swait.ge [sflag:s23], $0x1000  }
0x13f: {  	[sflag:s23] =	ssyncset.done $0x0  }
0x140: {  	s21 =	simm.s32 $0x0;
	[sflag:s23] =	ssyncadd.s32 $0xFFFFF000  }
0x141: {  	v5 =	vld [tilespmem:s21+$0x18810]  }
0x142: {  	v4 =	vld [tilespmem:s21+$0x18820]  }
0x143: {  	s22 =	simm.s32 $0x100;
	s24 =	smov.u32 s12;
	v3 =	vld [tilespmem:s12+$0x0]  }
.LBB2_19:
0x144: {  	p0 =	sne.s32 s22, $0x3F00;
	v6 =	vld [tilespmem:s21+$0x18830]  }
0x145: {  	v7 =	vld [tilespmem:s21+$0x18800]  }
0x146: {  	v8 =	vld [tilespmem:s21+$0x16820]  }
0x147: {  	v9 =	vld [tilespmem:s21+$0x16800]  }
0x148: {  	v10 =	vmul.f32 v3, v3;
	v11 =	vld [tilespmem:s21+$0x16810];
	v5 =	vmul.f32 v5, v3  }
0x149: {  	v4 =	vmul.f32 v4, v3;
	v12 =	vld [tilespmem:s21+$0x16830];
	v6 =	vmul.f32 v6, v3  }
0x14a: {  	v10 =	vmul.f32 $8.999999760e-01, v10;
	v3 =	vmul.f32 v7, v3  }
0x14b: {  	v5 =	vmul.f32 $1.000000010e-01, v5;
	v4 =	vmul.f32 $1.000000010e-01, v4  }
0x14c: {  	v3 =	vmul.f32 $1.000000010e-01, v3;
	v7 =	vmul.f32 v10, v9  }
0x14d: {  	v8 =	vmul.f32 v8, v10;
	v9 =	vmul.f32 v11, v10  }
0x14e: {  	v6 =	vmul.f32 $1.000000010e-01, v6;
	v3 =	vadd.f32 v3, v7;
	v7 =	vmul.f32 v12, v10  }
0x14f: {  	v4 =	vadd.f32 v4, v8;
	v5 =	vadd.f32 v5, v9  }
.Ltmp8:
0x150: {  	[tilespmem:s21+$0x16800] =	vst v3;
	v3 =	vadd.f32 v6, v7;
	(pc) =	sbr.rel @p0 .LBB2_19-.Ltmp8, $4  }
0x151: {  	s11 =	sshra.s32 s22, $0x2;
	[tilespmem:s21+$0x16810] =	vst v5  }
0x152: {  	v5 =	vld [tilespmem:s11+$0x18810];
	[tilespmem:s21+$0x16820] =	vst v4  }
0x153: {  	s24 =	sadd.s32 $0x10, s24;
	v4 =	vld [tilespmem:s11+$0x18820];
	[tilespmem:s21+$0x16830] =	vst v3;
	s21 =	smov.u32 s11  }
0x154: {  	s22 =	sadd.s32 $0x100, s22;
	v3 =	vld [tilespmem:s24+$0x0]  }
0x155: {  	_ = 	snop  }
0x156: {  	v6 =	vld [tilespmem:s21+$0x18800]  }
0x157: {  	v7 =	vld [tilespmem:s21+$0x18830]  }
0x158: {  	v8 =	vld [tilespmem:s21+$0x16800]  }
0x159: {  	v10 =	vld [tilespmem:s21+$0x16810];
	v9 =	vmul.f32 v3, v3  }
0x15a: {  	v11 =	vld [tilespmem:s21+$0x16820];
	v5 =	vmul.f32 v5, v3  }
0x15b: {  	v12 =	vld [tilespmem:s21+$0x16830];
	v6 =	vmul.f32 v6, v3;
	v9 =	vmul.f32 $8.999999760e-01, v9  }
0x15c: {  	v4 =	vmul.f32 v4, v3;
	v3 =	vmul.f32 v7, v3  }
0x15d: {  	v6 =	vmul.f32 $1.000000010e-01, v6;
	v60 =	vmul.f32 v9, v8  }
0x15e: {  	v5 =	vmul.f32 $1.000000010e-01, v5;
	v61 =	vmul.f32 v10, v9  }
0x15f: {  	v4 =	vmul.f32 $1.000000010e-01, v4;
	v62 =	vmul.f32 v11, v9;
	v6 =	vadd.f32 v6, v60  }
0x160: {  	v3 =	vmul.f32 $1.000000010e-01, v3;
	v63 =	vmul.f32 v12, v9;
	v5 =	vadd.f32 v5, v61  }
0x161: {  	v4 =	vadd.f32 v4, v62;
	[tilespmem:s21+$0x16800] =	vst v6  }
0x162: {  	s11 =	sadd.s32 s8, s19;
	v3 =	vadd.f32 v3, v63;
	[tilespmem:s21+$0x16810] =	vst v5  }
0x163: {  	s11 =	sshll.u32 s11, $0x3;
	[tilespmem:s21+$0x16820] =	vst v4  }
0x164: {  	s11 =	sadd.s32 s2, s11;
	[tilespmem:s21+$0x16830] =	vst v3  }
0x165: {  	[hbm4b:s11+s3] =	stream.linear.scatter [tilespmem:s28], [sflag:$0x9], $0x1000, $0x38;
	[tilespmem:$0x1F800] =	vst v63  }
0x166: {  	s15 =	sadd.s32 $0x1, s15;
	_ =	swait.ge [sflag:s23], $0x1000  }
0x167: {  	p0 =	sne.s32 s15, $0xA;
	[sflag:s23] =	ssyncset.done $0x0  }
.Ltmp9:
0x168: {  	[sflag:s23] =	ssyncadd.s32 $0xFFFFF000;
	(pc) =	sbr.rel @p0 .LBB2_18-.Ltmp9, $4  }
0x169: {  	[spmem:s17] =	stream.linear.scatter [tilespmem:s25], [sflag:$0x9], $0x1000, $0x38;
	[tilespmem:$0x1F800] =	vst v63  }
0x16a: {  	_ =	swait.ge [sflag:s23], $0x1000  }
0x16b: {  	[sflag:s23] =	ssyncset.done $0x0  }
0x16c: {  	s12 =	sadd.s32 $0x400, s12;
	[sflag:s23] =	ssyncadd.s32 $0xFFFFF000  }
0x16d: {  	s0 =	sadd.s32 $0x1, s0  }
0x16e: {  	p0 =	sne.s32 s0, $0x9  }
.Ltmp10:
0x16f: {  	_ = 	snop;
	(pc) =	sbr.rel @p0 .LBB2_14-.Ltmp10, $2  }
0x170: {  	_ =	sdelay $0x1  }
0x171: {  	[bflag:$0x0] =	sbarrier.arrive $0xFFFF;
	_ =	sdelay $0x1  }
0x172: {  	s0 =	simm.s32 $0xA000  }
0x173: {  	[tilespmem:s28], [sflag:$0x1] =	stream.indirect.gather [hbm4b:s2+s26], $0x40, s0, s26, $0xb8;
	[tilespmem:$0x1F800] =	vst v63  }
0x174: {  	s7 =	simm.s32 $0xA080  }
0x175: {  	[tilespmem:s29], [sflag:$0x2] =	stream.indirect.gather [hbm4b:s2+s26], $0x40, s7, s26, $0xb8;
	[tilespmem:$0x1F800] =	vst v63  }
0x176: {  	_ =	swait.ge [sflag:s31], $0x2000  }
0x177: {  	[sflag:s31] =	ssyncset.done $0x0  }
0x178: {  	s11 =	simm.s32 $0xF000;
	[sflag:s31] =	ssyncadd.s32 $0xFFFFE000  }
0x179: {  	[spmem:s1] =	stream.indirect.scatter.add.f32 [tilespmem:s28], [sflag:$0x5], $0x40, s11, s26, $0xb8;
	[tilespmem:$0x1F800] =	vst v63  }
0x17a: {  	s12 =	simm.s32 $0xA100  }
0x17b: {  	[tilespmem:s4], [sflag:$0x3] =	stream.indirect.gather [hbm4b:s2+s26], $0x40, s12, s26, $0xb8;
	[tilespmem:$0x1F800] =	vst v63  }
0x17c: {  	_ =	swait.ge [sflag:s6], $0x2000  }
0x17d: {  	[sflag:s6] =	ssyncset.done $0x0  }
0x17e: {  	s15 =	simm.s32 $0xF080;
	[sflag:s6] =	ssyncadd.s32 $0xFFFFE000  }
0x17f: {  	[spmem:s1] =	stream.indirect.scatter.add.f32 [tilespmem:s29], [sflag:$0x6], $0x40, s15, s26, $0xb8;
	[tilespmem:$0x1F800] =	vst v63  }
0x180: {  	s17 =	simm.s32 $0xA180  }
0x181: {  	[tilespmem:s13], [sflag:$0x4] =	stream.indirect.gather [hbm4b:s2+s26], $0x40, s17, s26, $0xb8;
	[tilespmem:$0x1F800] =	vst v63  }
0x182: {  	_ =	swait.ge [sflag:s14], $0x2000  }
0x183: {  	[sflag:s14] =	ssyncset.done $0x0  }
0x184: {  	s19 =	simm.s32 $0xF100;
	[sflag:s14] =	ssyncadd.s32 $0xFFFFE000  }
0x185: {  	[spmem:s1] =	stream.indirect.scatter.add.f32 [tilespmem:s4], [sflag:$0x7], $0x40, s19, s26, $0xb8;
	[tilespmem:$0x1F800] =	vst v63  }
0x186: {  	_ =	swait.ge [sflag:s16], $0x2000  }
0x187: {  	[sflag:s16] =	ssyncset.done $0x0  }
0x188: {  	s21 =	simm.s32 $0xA200;
	[sflag:s16] =	ssyncadd.s32 $0xFFFFE000  }
0x189: {  	[tilespmem:s28], [sflag:$0x1] =	stream.indirect.gather [hbm4b:s2+s26], $0x40, s21, s26, $0xb8;
	[tilespmem:$0x1F800] =	vst v63  }
0x18a: {  	_ =	swait.ge [sflag:s18], $0x2000  }
0x18b: {  	[sflag:s18] =	ssyncset.done $0x0  }
0x18c: {  	s22 =	simm.s32 $0xF180;
	[sflag:s18] =	ssyncadd.s32 $0xFFFFE000  }
0x18d: {  	[spmem:s1] =	stream.indirect.scatter.add.f32 [tilespmem:s13], [sflag:$0x8], $0x40, s22, s26, $0xb8;
	[tilespmem:$0x1F800] =	vst v63  }
0x18e: {  	_ =	swait.ge [sflag:s20], $0x2000  }
0x18f: {  	[sflag:s20] =	ssyncset.done $0x0  }
0x190: {  	s24 =	simm.s32 $0xA280;
	s0 =	simm.s32 $0x0;
	[sflag:s20] =	ssyncadd.s32 $0xFFFFE000  }
0x191: {  	[tilespmem:s29], [sflag:$0x2] =	stream.indirect.gather [hbm4b:s2+s26], $0x40, s24, s26, $0xb8;
	[tilespmem:$0x1F800] =	vst v63  }
.LBB2_23:
0x192: {  	_ =	swait.ge [sflag:s31], $0x2000  }
0x193: {  	s7 =	sshra.s32 s0, $0x2;
	[sflag:s31] =	ssyncset.done $0x0  }
0x194: {  	s11 =	sadd.s32 $0xF200, s7;
	[sflag:s31] =	ssyncadd.s32 $0xFFFFE000  }
0x195: {  	[spmem:s1] =	stream.indirect.scatter.add.f32 [tilespmem:s28], [sflag:$0x5], $0x40, s11, s26, $0xb8;
	[tilespmem:$0x1F800] =	vst v63  }
0x196: {  	_ =	swait.ge [sflag:s9], $0x2000  }
0x197: {  	[sflag:s9] =	ssyncset.done $0x0  }
0x198: {  	s19 =	sadd.s32 $0xA300, s7;
	[sflag:s9] =	ssyncadd.s32 $0xFFFFE000  }
0x199: {  	[tilespmem:s4], [sflag:$0x3] =	stream.indirect.gather [hbm4b:s2+s26], $0x40, s19, s26, $0xb8;
	[tilespmem:$0x1F800] =	vst v63  }
0x19a: {  	_ =	swait.ge [sflag:s6], $0x2000  }
0x19b: {  	[sflag:s6] =	ssyncset.done $0x0  }
0x19c: {  	s21 =	sadd.s32 $0xF280, s7;
	[sflag:s6] =	ssyncadd.s32 $0xFFFFE000  }
0x19d: {  	[spmem:s1] =	stream.indirect.scatter.add.f32 [tilespmem:s29], [sflag:$0x6], $0x40, s21, s26, $0xb8;
	[tilespmem:$0x1F800] =	vst v63  }
0x19e: {  	_ =	swait.ge [sflag:s30], $0x2000  }
0x19f: {  	[sflag:s30] =	ssyncset.done $0x0  }
0x1a0: {  	s22 =	sadd.s32 $0xA380, s7;
	[sflag:s30] =	ssyncadd.s32 $0xFFFFE000  }
0x1a1: {  	[tilespmem:s13], [sflag:$0x4] =	stream.indirect.gather [hbm4b:s2+s26], $0x40, s22, s26, $0xb8;
	[tilespmem:$0x1F800] =	vst v63  }
0x1a2: {  	_ =	swait.ge [sflag:s14], $0x2000  }
0x1a3: {  	p0 =	seq.s32 s0, $0x13000;
	[sflag:s14] =	ssyncset.done $0x0  }
.Ltmp11:
0x1a4: {  	s24 =	sadd.s32 $0xF300, s7;
	[sflag:s14] =	ssyncadd.s32 $0xFFFFE000;
	(pc) =	sbr.rel @p0 .LBB2_25-.Ltmp11, $4  }
0x1a5: {  	[spmem:s1] =	stream.indirect.scatter.add.f32 [tilespmem:s4], [sflag:$0x7], $0x40, s24, s26, $0xb8;
	[tilespmem:$0x1F800] =	vst v63  }
0x1a6: {  	_ =	swait.ge [sflag:s16], $0x2000  }
0x1a7: {  	[sflag:s16] =	ssyncset.done $0x0  }
0x1a8: {  	s12 =	sadd.s32 $0xF380, s7;
	[sflag:s16] =	ssyncadd.s32 $0xFFFFE000  }
0x1a9: {  	s11 =	sadd.s32 $0xA400, s7  }
0x1aa: {  	[tilespmem:s28], [sflag:$0x1] =	stream.indirect.gather [hbm4b:s2+s26], $0x40, s11, s26, $0xb8;
	[tilespmem:$0x1F800] =	vst v63  }
0x1ab: {  	_ =	swait.ge [sflag:s18], $0x2000  }
0x1ac: {  	[sflag:s18] =	ssyncset.done $0x0  }
0x1ad: {  	[sflag:s18] =	ssyncadd.s32 $0xFFFFE000  }
0x1ae: {  	[spmem:s1] =	stream.indirect.scatter.add.f32 [tilespmem:s13], [sflag:$0x8], $0x40, s12, s26, $0xb8;
	[tilespmem:$0x1F800] =	vst v63  }
.Ltmp12:
0x1af: {  	_ = 	snop;
	(pc) =	sbr.rel .LBB2_23-.Ltmp12, $4  }
0x1b0: {  	_ =	swait.ge [sflag:s20], $0x2000  }
0x1b1: {  	[sflag:s20] =	ssyncset.done $0x0  }
0x1b2: {  	s24 =	sadd.s32 $0xA480, s7;
	s0 =	sadd.s32 $0x800, s0;
	[sflag:s20] =	ssyncadd.s32 $0xFFFFE000  }
0x1b3: {  	[tilespmem:s29], [sflag:$0x2] =	stream.indirect.gather [hbm4b:s2+s26], $0x40, s24, s26, $0xb8;
	[tilespmem:$0x1F800] =	vst v63  }
.LBB2_25:
0x1b4: {  	_ =	swait.ge [sflag:s18], $0x2000  }
0x1b5: {  	[sflag:s18] =	ssyncset.done $0x0  }
0x1b6: {  	[sflag:s18] =	ssyncadd.s32 $0xFFFFE000  }
0x1b7: {  	[spmem:s1] =	stream.indirect.scatter.add.f32 [tilespmem:s13], [sflag:$0x8], $0x40, s12, s26, $0xb8;
	[tilespmem:$0x1F800] =	vst v63  }
0x1b8: {  	_ =	swait.ge [sflag:s20], $0x2000  }
0x1b9: {  	[sflag:s20] =	ssyncset.done $0x0  }
0x1ba: {  	[sflag:s20] =	ssyncadd.s32 $0xFFFFE000  }
0x1bb: {  	_ =	swait.ge [sflag:s9], $0x2000  }
0x1bc: {  	[sflag:s9] =	ssyncset.done $0x0  }
0x1bd: {  	[sflag:s9] =	ssyncadd.s32 $0xFFFFE000  }
0x1be: {  	_ =	swait.ge [sflag:s30], $0x2000  }
0x1bf: {  	[sflag:s30] =	ssyncset.done $0x0  }
0x1c0: {  	s0 =	simm.s32 $0x0;
	[sflag:s30] =	ssyncadd.s32 $0xFFFFE000  }
0x1c1: {  	s7 =	simm.s32 $0x14000;
	s12 =	simm.s32 $0x0;
	[bflag:$0x0] =	sbarrier.arrive $0xFFFF  }
.LBB2_26:
0x1c2: {  	s11 =	sshll.u32 s12, $0x6  }
0x1c3: {  	s11 =	sadd.s32 s5, s11  }
0x1c4: {  	s15 =	sshll.u32 s11, $0x6  }
0x1c5: {  	s15 =	sand.u32 $0x3FFFFFC0, s15  }
0x1c6: {  	s15 =	sadd.s32 s15, s1  }
0x1c7: {  	[tilespmem:s28], [sflag:$0x9] =	stream.linear.gather [spmem:s15], $0x1000, $0x38;
	[tilespmem:$0x1F800] =	vst v63  }
0x1c8: {  	_ =	swait.ge [sflag:s23], $0x1000  }
0x1c9: {  	s15 =	sshll.u32 s11, $0x3;
	[sflag:s23] =	ssyncset.done $0x0  }
0x1ca: {  	s11 =	sadd.s32 s15, s10;
	[sflag:s23] =	ssyncadd.s32 $0xFFFFF000  }
0x1cb: {  	[tilespmem:s29], [sflag:$0x9] =	stream.linear.gather [hbm4b:s11+s0], $0x1000, $0x38;
	[tilespmem:$0x1F800] =	vst v63  }
0x1cc: {  	_ =	swait.ge [sflag:s23], $0x1000  }
0x1cd: {  	[sflag:s23] =	ssyncset.done $0x0  }
0x1ce: {  	s17 =	simm.s32 $0x0;
	[sflag:s23] =	ssyncadd.s32 $0xFFFFF000  }
0x1cf: {  	v3 =	vld [tilespmem:s17+$0x18810]  }
0x1d0: {  	v6 =	vld [tilespmem:s17+$0x18830]  }
0x1d1: {  	v11 =	vld [tilespmem:s17+$0x16830]  }
0x1d2: {  	v10 =	vld [tilespmem:s17+$0x16800]  }
0x1d3: {  	v5 =	vld [tilespmem:s7+$0x0]  }
0x1d4: {  	v4 =	vld [tilespmem:s17+$0x18820]  }
0x1d5: {  	v9 =	vld [tilespmem:s17+$0x16820]  }
0x1d6: {  	v8 =	vld [tilespmem:s17+$0x16810]  }
0x1d7: {  	v7 =	vld [tilespmem:s17+$0x18800];
	v3 =	vmul.f32 $1.000000010e-01, v3;
	v6 =	vmul.f32 $1.000000010e-01, v6  }
0x1d8: {  	s19 =	simm.s32 $0x100;
	s21 =	smov.u32 s7;
	v10 =	vmul.f32 v10, v5;
	v11 =	vmul.f32 v11, v5  }
.LBB2_27:
0x1d9: {  	p0 =	sne.s32 s19, $0x3F00  }
0x1da: {  	v9 =	vmul.f32 v9, v5;
	v4 =	vmul.f32 $1.000000010e-01, v4;
	s21 =	sadd.s32 $0x10, s21;
	s11 =	smov.u32 s19;
	s19 =	sadd.s32 $0x100, s19  }
0x1db: {  	v5 =	vmul.f32 v8, v5;
	v8 =	vmul.f32 $8.999999760e-01, v11  }
0x1dc: {  	v10 =	vmul.f32 $8.999999760e-01, v10;
	v7 =	vmul.f32 $1.000000010e-01, v7  }
0x1dd: {  	s11 =	sshra.s32 s11, $0x2;
	v9 =	vmul.f32 $8.999999760e-01, v9;
	v5 =	vmul.f32 $8.999999760e-01, v5;
	v6 =	vadd.f32 v6, v8  }
0x1de: {  	v11 =	vld [tilespmem:s11+$0x18810];
	v7 =	vadd.f32 v7, v10  }
0x1df: {  	v10 =	vld [tilespmem:s11+$0x18830];
	v3 =	vadd.f32 v3, v5;
	v5 =	vadd.f32 v4, v9;
	[tilespmem:s17+$0x16830] =	vst v6  }
0x1e0: {  	v12 =	vld [tilespmem:s11+$0x16830];
	[tilespmem:s17+$0x16800] =	vst v7  }
0x1e1: {  	v13 =	vld [tilespmem:s11+$0x16800];
	[tilespmem:s17+$0x16810] =	vst v3  }
0x1e2: {  	v4 =	vld [tilespmem:s11+$0x18820];
	[tilespmem:s17+$0x16820] =	vst v5;
	s17 =	smov.u32 s11  }
0x1e3: {  	v5 =	vld [tilespmem:s21+$0x0]  }
.Ltmp13:
0x1e4: {  	v9 =	vld [tilespmem:s17+$0x16820];
	(pc) =	sbr.rel @p0 .LBB2_27-.Ltmp13, $4  }
0x1e5: {  	v8 =	vld [tilespmem:s17+$0x16810]  }
0x1e6: {  	v7 =	vld [tilespmem:s17+$0x18800]  }
0x1e7: {  	v3 =	vmul.f32 $1.000000010e-01, v11;
	v6 =	vmul.f32 $1.000000010e-01, v10  }
0x1e8: {  	v10 =	vmul.f32 v13, v5;
	v11 =	vmul.f32 v12, v5  }
0x1e9: {  	v9 =	vmul.f32 v9, v5  }
0x1ea: {  	v61 =	vmul.f32 v8, v5;
	v62 =	vmul.f32 $8.999999760e-01, v11  }
0x1eb: {  	v10 =	vmul.f32 $8.999999760e-01, v10;
	v7 =	vmul.f32 $1.000000010e-01, v7  }
0x1ec: {  	v4 =	vmul.f32 $1.000000010e-01, v4;
	v63 =	vmul.f32 $8.999999760e-01, v9;
	v6 =	vadd.f32 v6, v62  }
0x1ed: {  	v5 =	vmul.f32 $8.999999760e-01, v61;
	v7 =	vadd.f32 v7, v10  }
0x1ee: {  	v4 =	vadd.f32 v4, v63;
	[tilespmem:s17+$0x16830] =	vst v6  }
0x1ef: {  	s12 =	sadd.s32 $0x1, s12;
	v3 =	vadd.f32 v3, v5;
	[tilespmem:s17+$0x16800] =	vst v7  }
0x1f0: {  	s11 =	rddreg [dreg:$0x8];
	p0 =	sne.s32 s12, $0xA;
	[tilespmem:s17+$0x16820] =	vst v4  }
.Ltmp14:
0x1f1: {  	s11 =	sadd.s32 s15, s11;
	[tilespmem:s17+$0x16810] =	vst v3;
	(pc) =	sbr.rel @p0 .LBB2_26-.Ltmp14, $4  }
0x1f2: {  	[hbm4b:s11+s3] =	stream.linear.scatter [tilespmem:s28], [sflag:$0x9], $0x1000, $0x38;
	[tilespmem:$0x1F800] =	vst v63  }
0x1f3: {  	_ =	swait.ge [sflag:s23], $0x1000  }
0x1f4: {  	[sflag:s23] =	ssyncset.done $0x0  }
0x1f5: {  	s7 =	sadd.s32 $0x400, s7;
	[sflag:s23] =	ssyncadd.s32 $0xFFFFF000  }
0x1f6: {  	s7 =	rddreg [dreg:$0x13]  }
0x1f7: {  	s0 =	rddreg [dreg:$0x9];
	s7 =	sadd.s32 $0x1, s7  }
0x1f8: {  	p0 =	sne.s32 s7, s0  }
.Ltmp15:
0x1f9: {  	_ = 	snop;
	(pc) =	sbr.rel @p0 .LBB2_1-.Ltmp15, $1  }
0x1fa: {  	_ =	sdelay $0x3  }
0x1fb: {  	_ =	sfence.sel $0x180000  }
0x1fc: {  	[bflag:$0x0] =	sbarrier.arrive $0xFFFF  }
0x1fd: {  	_ =	strace $0x90000047  }
0x1fe: {  	s0 =	stileid.u32;
	[bflag:$0x2] =	sbarrier.arrive $0xFFFF  }
0x1ff: {  	p0 =	sne.s32 s0, $0x0;
	s0 =	rddreg [dreg:$0x4]  }
0x200: {  	s0 =	sadd.s32 @!p0 $0x100000, s0  }
0x201: {  	[sflag:s0] =	ssyncadd.tile.s32 @!p0 $0x1;
	_ =	shalt  }
.Lfunc_end2:
_tile_overlayer_lowered:
.L_overlay_start_2:
0x202: {  	(tag) =	ssettag $0x2  }
0x203: {  	s0 =	rddreg [dreg:$0x0];
	s2 =	stileid.u32  }
0x204: {  	s1 =	rddreg [dreg:$0x1];
	p0 =	sne.s32 s2, $0x0  }
0x205: {  	s3 =	rddreg [dreg:$0x2];
	[bflag:$0x3] =	sbarrier.arrive $0xFFFF;
	s2 =	simm.s32 @!p0 $0x1C09  }
0x206: {  	[timem:s3], [sflag:s2] =	dma.local @!p0 [hbm:s0], s1  }
0x207: {  	s0 =	simm.s32 @!p0 $0x9  }
0x208: {  	_ =	swait.ge @!p0 [sflag:s0], s1  }
0x209: {  	s1 =	ssub.s32 @!p0 $0x0, s1;
	[sflag:s0] =	ssyncset.done @!p0 $0x0  }
0x20a: {  	[sflag:s0] =	ssyncadd.s32 @!p0 s1  }
0x20b: {  	[bflag:$0x3] =	sbarrier.arrive $0xFFFF  }
0x20c: {  	_ =	shalt  }

</sc_bundles>
